<compile_context>
chip_gen: v7x
topology: tpu7x:2x2x1
jax: 0.10.2.dev20260603
libtpu: 0.0.44.dev20260713+nightly
codegen_flags: <defaults>
</compile_context>

<pallas_src>
import functools

import jax
import jax.numpy as jnp
from jax import lax
from jax.experimental import pallas as pl
from jax.experimental.pallas import tpu as pltpu
from jax.experimental.pallas import tpu_sc as plsc

_N = 4194304
_NC = 2
_NS = 16
_NW = _NC * _NS
_CH = 16384
_NCH = 2
_PW = _NCH * _CH
_NSC = _NW * _PW
_CB = 1048576
_RB = 16384
_SB = _CB // _RB
_BR = _RB // 128
_B0 = _NSC // _CB
_GT = (_N - _NSC) // _CB
_NBM = _GT * _SB

_NEG = -3.4e38
_BIGI = 2**30


def _scan_body(in_hbm, tg_hbm, cand_out, ci_out,
               in_a, in_b, tg_a, tg_b, oscr, iscr, sem_a, sem_b):
    cid = lax.axis_index("c")
    sid = lax.axis_index("s")
    wid = sid * _NC + cid
    base = wid * _PW

    in_bufs = (in_a, in_b)
    tg_bufs = (tg_a, tg_b)
    sems = (sem_a, sem_b)
    lane = lax.iota(jnp.int32, 16)

    def fire(c, par):
        @pl.when(c < _NCH)
        def _():
            pltpu.make_async_copy(
                in_hbm.at[pl.ds(base + c * _CH, _CH)],
                in_bufs[par], sems[par]).start()
            pltpu.make_async_copy(
                tg_hbm.at[pl.ds(base + c * _CH, _CH)],
                tg_bufs[par], sems[par]).start()

    def wait(par):
        pltpu.make_async_copy(
            in_hbm.at[pl.ds(base, _CH)], in_bufs[par], sems[par]).wait()
        pltpu.make_async_copy(
            tg_hbm.at[pl.ds(base, _CH)], tg_bufs[par], sems[par]).wait()

    def scan_chunk(c, par, carry):
        ibuf = in_bufs[par]
        tbuf = tg_bufs[par]

        def grp_body(g, cr):
            vmax, vidx, va, vb = cr
            off0 = g * 128
            gidx0 = base + c * _CH + off0
            for s in range(8):
                off = off0 + s * 16
                a = ibuf[pl.ds(off, 16)]
                t = tbuf[pl.ds(off, 16)]
                d = a - t
                d2 = d * d
                hit = d2 > vmax
                idxv = gidx0 + s * 16 + lane
                vmax = jnp.where(hit, d2, vmax)
                vidx = jnp.where(hit, idxv, vidx)
                va = jnp.where(hit, a, va)
                vb = jnp.where(hit, t, vb)
            return (vmax, vidx, va, vb)

        return lax.fori_loop(0, _CH // 128, grp_body, carry)

    fire(0, 0)
    fire(1, 1)

    init = (jnp.full((16,), -1.0, jnp.float32),
            jnp.full((16,), _BIGI, jnp.int32),
            jnp.zeros((16,), jnp.float32),
            jnp.zeros((16,), jnp.float32))

    def pair_body(c2, cr):
        c0 = 2 * c2
        wait(0)
        cr = scan_chunk(c0, 0, cr)
        fire(c0 + 2, 0)
        wait(1)
        cr = scan_chunk(c0 + 1, 1, cr)
        fire(c0 + 3, 1)
        return cr

    vmax, vidx, va, vb = lax.fori_loop(0, _NCH // 2, pair_body, init)

    oscr[pl.ds(0, 16)] = vmax
    oscr[pl.ds(16, 16)] = va
    oscr[pl.ds(32, 16)] = vb
    iscr[...] = vidx
    pltpu.sync_copy(oscr, cand_out.at[wid])
    pltpu.sync_copy(iscr, ci_out.at[wid])


_phase1 = pl.kernel(
    _scan_body,
    out_type=[
        jax.ShapeDtypeStruct((_NW, 48), jnp.float32),
        jax.ShapeDtypeStruct((_NW, 16), jnp.int32),
    ],
    mesh=plsc.VectorSubcoreMesh(
        core_axis_name="c", subcore_axis_name="s",
        num_cores=_NC, num_subcores=_NS),
    scratch_types=[
        pltpu.VMEM((_CH,), jnp.float32),
        pltpu.VMEM((_CH,), jnp.float32),
        pltpu.VMEM((_CH,), jnp.float32),
        pltpu.VMEM((_CH,), jnp.float32),
        pltpu.VMEM((48,), jnp.float32),
        pltpu.VMEM((16,), jnp.int32),
        pltpu.SemaphoreType.DMA,
        pltpu.SemaphoreType.DMA,
    ],
)


def _tc_body(in_ref, tg_ref, bm_ref, mo_ref, so_ref):
    i = pl.program_id(0)
    a = in_ref[...].reshape(_CB // 128, 128)
    t = tg_ref[...].reshape(_CB // 128, 128)
    d = a - t
    d2 = d * d
    for j in range(_SB):
        bm_ref[i * _SB + j] = jnp.max(d2[j * _BR:(j + 1) * _BR, :])

    @pl.when(i == _GT - 1)
    def _():
        def red(s, carry):
            m_cur, s_cur = carry
            m_s = bm_ref[s]
            take = m_s > m_cur
            return (jnp.where(take, m_s, m_cur), jnp.where(take, s, s_cur))

        m_tc, s_tc = lax.fori_loop(
            0, _NBM, red, (jnp.float32(-1.0), jnp.int32(0)))
        mo_ref[0] = m_tc
        so_ref[0] = s_tc


_tc_scan = pl.pallas_call(
    _tc_body,
    grid=(_GT,),
    in_specs=[
        pl.BlockSpec((_CB,), lambda i: (_B0 + i,)),
        pl.BlockSpec((_CB,), lambda i: (_B0 + i,)),
    ],
    out_shape=[
        jax.ShapeDtypeStruct((_NBM,), jnp.float32),
        jax.ShapeDtypeStruct((1,), jnp.float32),
        jax.ShapeDtypeStruct((1,), jnp.int32),
    ],
    out_specs=[
        pl.BlockSpec(memory_space=pltpu.SMEM),
        pl.BlockSpec(memory_space=pltpu.SMEM),
        pl.BlockSpec(memory_space=pltpu.SMEM),
    ],
)


def _merge_body(s_ref, in_ref, tg_ref, mt_ref, c_ref, ci_ref,
                md_ref, p_ref, ac_ref):
    cand = c_ref[...]
    v = cand[:, 0:16]
    idx = ci_ref[...]
    m_sc = jnp.max(v)
    maskv = v == m_sc
    g_sc = jnp.min(jnp.where(maskv, idx, _BIGI))
    sel = maskv & (idx == g_sc)
    a_sc = jnp.max(jnp.where(sel, cand[:, 16:32], _NEG))
    b_sc = jnp.max(jnp.where(sel, cand[:, 32:48], _NEG))
    m_tc = mt_ref[0]
    a_blk = in_ref[...].reshape(_BR, 128)
    t_blk = tg_ref[...].reshape(_BR, 128)
    d = a_blk - t_blk
    d2 = d * d
    rows = lax.broadcasted_iota(jnp.int32, (_BR, 128), 0)
    cols = lax.broadcasted_iota(jnp.int32, (_BR, 128), 1)
    idxf = _NSC + s_ref[0] * _RB + rows * 128 + cols
    eq = d2 == m_tc
    g_tc = jnp.min(jnp.where(eq, idxf, _BIGI))
    selt = eq & (idxf == g_tc)
    a_tc = jnp.max(jnp.where(selt, a_blk, _NEG))
    b_tc = jnp.max(jnp.where(selt, t_blk, _NEG))
    take_tc = m_tc > m_sc
    md_ref[0] = jnp.sqrt(jnp.where(take_tc, m_tc, m_sc))
    p_ref[0] = jnp.where(take_tc, a_tc, a_sc)
    ac_ref[0] = jnp.where(take_tc, b_tc, b_sc)


_phase2 = pl.pallas_call(
    _merge_body,
    grid_spec=pltpu.PrefetchScalarGridSpec(
        num_scalar_prefetch=1,
        grid=(1,),
        in_specs=[
            pl.BlockSpec((_RB,), lambda i, s: (_NSC // _RB + s[0],)),
            pl.BlockSpec((_RB,), lambda i, s: (_NSC // _RB + s[0],)),
            pl.BlockSpec(memory_space=pltpu.SMEM),
            pl.BlockSpec(memory_space=pltpu.MemorySpace.VMEM),
            pl.BlockSpec(memory_space=pltpu.MemorySpace.VMEM),
        ],
        out_specs=[
            pl.BlockSpec(memory_space=pltpu.SMEM),
            pl.BlockSpec(memory_space=pltpu.SMEM),
            pl.BlockSpec(memory_space=pltpu.SMEM),
        ],
    ),
    out_shape=[
        jax.ShapeDtypeStruct((1,), jnp.float32),
        jax.ShapeDtypeStruct((1,), jnp.float32),
        jax.ShapeDtypeStruct((1,), jnp.float32),
    ],
)


def kernel(inputs, target):
    cand, cidx = _phase1(inputs, target)
    _, mt, st = _tc_scan(inputs, target)
    md, p, ac = _phase2(st, inputs, target, mt, cand, cidx)
    return (md[0], p[0], ac[0])

# --- scband reference (transcript-rebuilt; emitter-appended) ---
"""Pipeline reference for scband-worst-2800318677698 (READ-ONLY COPY).

The authoritative reference and input builder live on the scoring server;
editing this copy changes nothing except your own understanding.
"""

import jax, jax.numpy as jnp
import numpy as np

N = 4194304

def setup_inputs(seed: int = 0) -> dict:
    key = jax.random.key(seed)
    k1, k2 = jax.random.split(key)
    inputs = jax.random.normal(k1, (N,), dtype=jnp.float32)
    target = jax.random.normal(k2, (N,), dtype=jnp.float32)
    return {"inputs": inputs, "target": target}

def reference(inputs, target):
    # tf.math.squared_difference
    sqd = jnp.square(inputs - target)
    # tf.argmax over the (only) axis 0
    bidx = jnp.argmax(sqd)
    # tf.sqrt(tf.reduce_max(sqd))
    max_diff = jnp.sqrt(jnp.max(sqd))
    # tf.gather(inputs, bidx) / tf.gather(target, bidx)
    predict = jnp.take(inputs, bidx)
    actual = jnp.take(target, bidx)
    return (max_diff, predict, actual)

if __name__ == "__main__":
    import jax
    _d = setup_inputs()
    print(jax.jit(kernel)(*tuple(_d.values())))

</pallas_src>

<mosaic_0001>
#map = affine_map<(d0, d1) -> (0)>
#map1 = affine_map<(d0, d1) -> (0, 0)>
module attributes {stable_mosaic.version = 14 : i64} {
  func.func @_scan_body(%arg0: i32, %arg1: i32, %arg2: memref<4194304xf32, #tpu.memory_space<hbm>>, %arg3: memref<4194304xf32, #tpu.memory_space<hbm>>, %arg4: memref<32x48xf32, #tpu.memory_space<hbm>>, %arg5: memref<32x16xi32, #tpu.memory_space<hbm>>, %arg6: memref<16384xf32, #tpu.memory_space<vmem>>, %arg7: memref<16384xf32, #tpu.memory_space<vmem>>, %arg8: memref<16384xf32, #tpu.memory_space<vmem>>, %arg9: memref<16384xf32, #tpu.memory_space<vmem>>, %arg10: memref<48xf32, #tpu.memory_space<vmem>>, %arg11: memref<16xi32, #tpu.memory_space<vmem>>, %arg12: memref<!tpu.dma_semaphore, #tpu.memory_space<semaphore_mem>>, %arg13: memref<!tpu.dma_semaphore, #tpu.memory_space<semaphore_mem>>) attributes {dimension_semantics = [#tpu.dimension_semantics<core_parallel>, #tpu.dimension_semantics<subcore_parallel>], iteration_bounds = array<i64: 2, 16>, scalar_prefetch = 0 : i64, scratch_operands = 8 : i64, tpu.core_type = #tpu.core_type<sc_vector_subcore>, window_params = [{transform_indices = #map}, {transform_indices = #map}, {transform_indices = #map1}, {transform_indices = #map1}]} {
    %mul3A = arith.constant 2 : i32
    %mul3A_0 = arith.muli %arg1, %mul3A : i32
    %add3A = arith.addi %mul3A_0, %arg0 : i32
    %mul3A_1 = arith.constant 32768 : i32
    %mul3A_2 = arith.muli %add3A, %mul3A_1 : i32
    %iota3A = tpu.iota {dimensions = array<i32: 0>} : vector<16xi32>
    %add3A_3 = arith.constant 0 : i32
    %add3A_4 = arith.addi %mul3A_2, %add3A_3 : i32
    %dma_start3A = tpu.memref_slice %arg2[%add3A_4] : memref<4194304xf32, #tpu.memory_space<hbm>> -> memref<16384xf32, #tpu.memory_space<hbm>>
    %dma_start3A_5 = tpu.memref_slice %arg2[%add3A_4] : memref<4194304xf32, #tpu.memory_space<hbm>> -> memref<16384xf32, #tpu.memory_space<hbm>>
    tpu.enqueue_dma source(%dma_start3A_5 : memref<16384xf32, #tpu.memory_space<hbm>>) target(%arg6 : memref<16384xf32, #tpu.memory_space<vmem>>) target_semaphore(%arg12 : memref<!tpu.dma_semaphore, #tpu.memory_space<semaphore_mem>>)
    %add3A_6 = arith.constant 0 : i32
    %add3A_7 = arith.addi %mul3A_2, %add3A_6 : i32
    %dma_start3A_8 = tpu.memref_slice %arg3[%add3A_7] : memref<4194304xf32, #tpu.memory_space<hbm>> -> memref<16384xf32, #tpu.memory_space<hbm>>
    %dma_start3A_9 = tpu.memref_slice %arg3[%add3A_7] : memref<4194304xf32, #tpu.memory_space<hbm>> -> memref<16384xf32, #tpu.memory_space<hbm>>
    tpu.enqueue_dma source(%dma_start3A_9 : memref<16384xf32, #tpu.memory_space<hbm>>) target(%arg8 : memref<16384xf32, #tpu.memory_space<vmem>>) target_semaphore(%arg12 : memref<!tpu.dma_semaphore, #tpu.memory_space<semaphore_mem>>)
    %add3A_10 = arith.constant 16384 : i32
    %add3A_11 = arith.addi %mul3A_2, %add3A_10 : i32
    %dma_start3A_12 = tpu.memref_slice %arg2[%add3A_11] : memref<4194304xf32, #tpu.memory_space<hbm>> -> memref<16384xf32, #tpu.memory_space<hbm>>
    %dma_start3A_13 = tpu.memref_slice %arg2[%add3A_11] : memref<4194304xf32, #tpu.memory_space<hbm>> -> memref<16384xf32, #tpu.memory_space<hbm>>
    tpu.enqueue_dma source(%dma_start3A_13 : memref<16384xf32, #tpu.memory_space<hbm>>) target(%arg7 : memref<16384xf32, #tpu.memory_space<vmem>>) target_semaphore(%arg13 : memref<!tpu.dma_semaphore, #tpu.memory_space<semaphore_mem>>)
    %add3A_14 = arith.constant 16384 : i32
    %add3A_15 = arith.addi %mul3A_2, %add3A_14 : i32
    %dma_start3A_16 = tpu.memref_slice %arg3[%add3A_15] : memref<4194304xf32, #tpu.memory_space<hbm>> -> memref<16384xf32, #tpu.memory_space<hbm>>
    %dma_start3A_17 = tpu.memref_slice %arg3[%add3A_15] : memref<4194304xf32, #tpu.memory_space<hbm>> -> memref<16384xf32, #tpu.memory_space<hbm>>
    tpu.enqueue_dma source(%dma_start3A_17 : memref<16384xf32, #tpu.memory_space<hbm>>) target(%arg9 : memref<16384xf32, #tpu.memory_space<vmem>>) target_semaphore(%arg13 : memref<!tpu.dma_semaphore, #tpu.memory_space<semaphore_mem>>)
    %broadcast_in_dim3A = arith.constant -1.000000e+00 : f32
    %broadcast_in_dim3A_18 = vector.broadcast %broadcast_in_dim3A : f32 to vector<16xf32>
    %broadcast_in_dim3A_19 = arith.constant 1073741824 : i32
    %broadcast_in_dim3A_20 = vector.broadcast %broadcast_in_dim3A_19 : i32 to vector<16xi32>
    %broadcast_in_dim3A_21 = arith.constant 0.000000e+00 : f32
    %broadcast_in_dim3A_22 = vector.broadcast %broadcast_in_dim3A_21 : f32 to vector<16xf32>
    %broadcast_in_dim3A_23 = arith.constant 0.000000e+00 : f32
    %broadcast_in_dim3A_24 = vector.broadcast %broadcast_in_dim3A_23 : f32 to vector<16xf32>
    %scan3A = arith.constant 0 : i32
    %mul3A_25 = arith.constant 2 : i32
    %mul3A_26 = arith.muli %mul3A_25, %scan3A : i32
    %dma_wait3A = tpu.memref_slice %arg2[%mul3A_2] : memref<4194304xf32, #tpu.memory_space<hbm>> -> memref<16384xf32, #tpu.memory_space<hbm>>
    %dma_wait3A_27 = tpu.memref_slice %arg2[%mul3A_2] : memref<4194304xf32, #tpu.memory_space<hbm>> -> memref<16384xf32, #tpu.memory_space<hbm>>
    tpu.wait_dma2 semaphore(%arg12 : memref<!tpu.dma_semaphore, #tpu.memory_space<semaphore_mem>>) src(%dma_wait3A_27 : memref<16384xf32, #tpu.memory_space<hbm>>) dst(%arg6 : memref<16384xf32, #tpu.memory_space<vmem>>)
    %dma_wait3A_28 = tpu.memref_slice %arg3[%mul3A_2] : memref<4194304xf32, #tpu.memory_space<hbm>> -> memref<16384xf32, #tpu.memory_space<hbm>>
    %dma_wait3A_29 = tpu.memref_slice %arg3[%mul3A_2] : memref<4194304xf32, #tpu.memory_space<hbm>> -> memref<16384xf32, #tpu.memory_space<hbm>>
    tpu.wait_dma2 semaphore(%arg12 : memref<!tpu.dma_semaphore, #tpu.memory_space<semaphore_mem>>) src(%dma_wait3A_29 : memref<16384xf32, #tpu.memory_space<hbm>>) dst(%arg8 : memref<16384xf32, #tpu.memory_space<vmem>>)
    %scan3A_30 = arith.constant 0 : i32
    %scan3A_31 = arith.constant 128 : i32
    %scan3A_32 = arith.addi %scan3A_30, %scan3A_31 : i32
    %scan3A_33 = arith.constant 1 : i32
    %scan3A_34:4 = scf.for %scan3A_75 = %scan3A_30 to %scan3A_32 step %scan3A_33 iter_args(%scan3A_76 = %broadcast_in_dim3A_18, %scan3A_77 = %broadcast_in_dim3A_20, %scan3A_78 = %broadcast_in_dim3A_22, %scan3A_79 = %broadcast_in_dim3A_24) -> (vector<16xf32>, vector<16xi32>, vector<16xf32>, vector<16xf32>)  : i32 {
      %mul3A_80 = arith.constant 128 : i32
      %mul3A_81 = arith.muli %scan3A_75, %mul3A_80 : i32
      %mul3A_82 = arith.constant 16384 : i32
      %mul3A_83 = arith.muli %mul3A_26, %mul3A_82 : i32
      %add3A_84 = arith.addi %mul3A_2, %mul3A_83 : i32
      %add3A_85 = arith.addi %add3A_84, %mul3A_81 : i32
      %add3A_86 = arith.constant 0 : i32
      %add3A_87 = arith.addi %mul3A_81, %add3A_86 : i32
      %get3A = arith.index_cast %add3A_87 : i32 to index
      %get3A_88 = tpu.vector_load %arg6[%get3A] {strides = array<i32>} : memref<16384xf32, #tpu.memory_space<vmem>>, vector<16xf32>,
      %get3A_89 = vector.shape_cast %get3A_88 : vector<16xf32> to vector<16xf32>
      %get3A_90 = arith.index_cast %add3A_87 : i32 to index
      %get3A_91 = tpu.vector_load %arg8[%get3A_90] {strides = array<i32>} : memref<16384xf32, #tpu.memory_space<vmem>>, vector<16xf32>,
      %get3A_92 = vector.shape_cast %get3A_91 : vector<16xf32> to vector<16xf32>
      %sub3A = arith.subf %get3A_89, %get3A_92 : vector<16xf32>
      %mul3A_93 = arith.mulf %sub3A, %sub3A : vector<16xf32>
      %gt3A = arith.cmpf ogt, %mul3A_93, %scan3A_76 : vector<16xf32>
      %add3A_94 = arith.constant 0 : i32
      %add3A_95 = arith.addi %add3A_85, %add3A_94 : i32
      %add3A_96 = vector.broadcast %add3A_95 : i32 to vector<16xi32>
      %add3A_97 = arith.addi %add3A_96, %iota3A : vector<16xi32>
      %select_n3A = arith.select %gt3A, %mul3A_93, %scan3A_76 : vector<16xi1>, vector<16xf32>
      %select_n3A_98 = arith.select %gt3A, %add3A_97, %scan3A_77 : vector<16xi1>, vector<16xi32>
      %select_n3A_99 = arith.select %gt3A, %get3A_89, %scan3A_78 : vector<16xi1>, vector<16xf32>
      %select_n3A_100 = arith.select %gt3A, %get3A_92, %scan3A_79 : vector<16xi1>, vector<16xf32>
      %add3A_101 = arith.constant 16 : i32
      %add3A_102 = arith.addi %mul3A_81, %add3A_101 : i32
      %get3A_103 = arith.index_cast %add3A_102 : i32 to index
      %get3A_104 = tpu.vector_load %arg6[%get3A_103] {strides = array<i32>} : memref<16384xf32, #tpu.memory_space<vmem>>, vector<16xf32>,
      %get3A_105 = vector.shape_cast %get3A_104 : vector<16xf32> to vector<16xf32>
      %get3A_106 = arith.index_cast %add3A_102 : i32 to index
      %get3A_107 = tpu.vector_load %arg8[%get3A_106] {strides = array<i32>} : memref<16384xf32, #tpu.memory_space<vmem>>, vector<16xf32>,
      %get3A_108 = vector.shape_cast %get3A_107 : vector<16xf32> to vector<16xf32>
      %sub3A_109 = arith.subf %get3A_105, %get3A_108 : vector<16xf32>
      %mul3A_110 = arith.mulf %sub3A_109, %sub3A_109 : vector<16xf32>
      %gt3A_111 = arith.cmpf ogt, %mul3A_110, %select_n3A : vector<16xf32>
      %add3A_112 = arith.constant 16 : i32
      %add3A_113 = arith.addi %add3A_85, %add3A_112 : i32
      %add3A_114 = vector.broadcast %add3A_113 : i32 to vector<16xi32>
      %add3A_115 = arith.addi %add3A_114, %iota3A : vector<16xi32>
      %select_n3A_116 = arith.select %gt3A_111, %mul3A_110, %select_n3A : vector<16xi1>, vector<16xf32>
      %select_n3A_117 = arith.select %gt3A_111, %add3A_115, %select_n3A_98 : vector<16xi1>, vector<16xi32>
      %select_n3A_118 = arith.select %gt3A_111, %get3A_105, %select_n3A_99 : vector<16xi1>, vector<16xf32>
      %select_n3A_119 = arith.select %gt3A_111, %get3A_108, %select_n3A_100 : vector<16xi1>, vector<16xf32>
      %add3A_120 = arith.constant 32 : i32
      %add3A_121 = arith.addi %mul3A_81, %add3A_120 : i32
      %get3A_122 = arith.index_cast %add3A_121 : i32 to index
      %get3A_123 = tpu.vector_load %arg6[%get3A_122] {strides = array<i32>} : memref<16384xf32, #tpu.memory_space<vmem>>, vector<16xf32>,
      %get3A_124 = vector.shape_cast %get3A_123 : vector<16xf32> to vector<16xf32>
      %get3A_125 = arith.index_cast %add3A_121 : i32 to index
      %get3A_126 = tpu.vector_load %arg8[%get3A_125] {strides = array<i32>} : memref<16384xf32, #tpu.memory_space<vmem>>, vector<16xf32>,
      %get3A_127 = vector.shape_cast %get3A_126 : vector<16xf32> to vector<16xf32>
      %sub3A_128 = arith.subf %get3A_124, %get3A_127 : vector<16xf32>
      %mul3A_129 = arith.mulf %sub3A_128, %sub3A_128 : vector<16xf32>
      %gt3A_130 = arith.cmpf ogt, %mul3A_129, %select_n3A_116 : vector<16xf32>
      %add3A_131 = arith.constant 32 : i32
      %add3A_132 = arith.addi %add3A_85, %add3A_131 : i32
      %add3A_133 = vector.broadcast %add3A_132 : i32 to vector<16xi32>
      %add3A_134 = arith.addi %add3A_133, %iota3A : vector<16xi32>
      %select_n3A_135 = arith.select %gt3A_130, %mul3A_129, %select_n3A_116 : vector<16xi1>, vector<16xf32>
      %select_n3A_136 = arith.select %gt3A_130, %add3A_134, %select_n3A_117 : vector<16xi1>, vector<16xi32>
      %select_n3A_137 = arith.select %gt3A_130, %get3A_124, %select_n3A_118 : vector<16xi1>, vector<16xf32>
      %select_n3A_138 = arith.select %gt3A_130, %get3A_127, %select_n3A_119 : vector<16xi1>, vector<16xf32>
      %add3A_139 = arith.constant 48 : i32
      %add3A_140 = arith.addi %mul3A_81, %add3A_139 : i32
      %get3A_141 = arith.index_cast %add3A_140 : i32 to index
      %get3A_142 = tpu.vector_load %arg6[%get3A_141] {strides = array<i32>} : memref<16384xf32, #tpu.memory_space<vmem>>, vector<16xf32>,
      %get3A_143 = vector.shape_cast %get3A_142 : vector<16xf32> to vector<16xf32>
      %get3A_144 = arith.index_cast %add3A_140 : i32 to index
      %get3A_145 = tpu.vector_load %arg8[%get3A_144] {strides = array<i32>} : memref<16384xf32, #tpu.memory_space<vmem>>, vector<16xf32>,
      %get3A_146 = vector.shape_cast %get3A_145 : vector<16xf32> to vector<16xf32>
      %sub3A_147 = arith.subf %get3A_143, %get3A_146 : vector<16xf32>
      %mul3A_148 = arith.mulf %sub3A_147, %sub3A_147 : vector<16xf32>
      %gt3A_149 = arith.cmpf ogt, %mul3A_148, %select_n3A_135 : vector<16xf32>
      %add3A_150 = arith.constant 48 : i32
      %add3A_151 = arith.addi %add3A_85, %add3A_150 : i32
      %add3A_152 = vector.broadcast %add3A_151 : i32 to vector<16xi32>
      %add3A_153 = arith.addi %add3A_152, %iota3A : vector<16xi32>
      %select_n3A_154 = arith.select %gt3A_149, %mul3A_148, %select_n3A_135 : vector<16xi1>, vector<16xf32>
      %select_n3A_155 = arith.select %gt3A_149, %add3A_153, %select_n3A_136 : vector<16xi1>, vector<16xi32>
      %select_n3A_156 = arith.select %gt3A_149, %get3A_143, %select_n3A_137 : vector<16xi1>, vector<16xf32>
      %select_n3A_157 = arith.select %gt3A_149, %get3A_146, %select_n3A_138 : vector<16xi1>, vector<16xf32>
      %add3A_158 = arith.constant 64 : i32
      %add3A_159 = arith.addi %mul3A_81, %add3A_158 : i32
      %get3A_160 = arith.index_cast %add3A_159 : i32 to index
      %get3A_161 = tpu.vector_load %arg6[%get3A_160] {strides = array<i32>} : memref<16384xf32, #tpu.memory_space<vmem>>, vector<16xf32>,
      %get3A_162 = vector.shape_cast %get3A_161 : vector<16xf32> to vector<16xf32>
      %get3A_163 = arith.index_cast %add3A_159 : i32 to index
      %get3A_164 = tpu.vector_load %arg8[%get3A_163] {strides = array<i32>} : memref<16384xf32, #tpu.memory_space<vmem>>, vector<16xf32>,
      %get3A_165 = vector.shape_cast %get3A_164 : vector<16xf32> to vector<16xf32>
      %sub3A_166 = arith.subf %get3A_162, %get3A_165 : vector<16xf32>
      %mul3A_167 = arith.mulf %sub3A_166, %sub3A_166 : vector<16xf32>
      %gt3A_168 = arith.cmpf ogt, %mul3A_167, %select_n3A_154 : vector<16xf32>
      %add3A_169 = arith.constant 64 : i32
      %add3A_170 = arith.addi %add3A_85, %add3A_169 : i32
      %add3A_171 = vector.broadcast %add3A_170 : i32 to vector<16xi32>
      %add3A_172 = arith.addi %add3A_171, %iota3A : vector<16xi32>
      %select_n3A_173 = arith.select %gt3A_168, %mul3A_167, %select_n3A_154 : vector<16xi1>, vector<16xf32>
      %select_n3A_174 = arith.select %gt3A_168, %add3A_172, %select_n3A_155 : vector<16xi1>, vector<16xi32>
      %select_n3A_175 = arith.select %gt3A_168, %get3A_162, %select_n3A_156 : vector<16xi1>, vector<16xf32>
      %select_n3A_176 = arith.select %gt3A_168, %get3A_165, %select_n3A_157 : vector<16xi1>, vector<16xf32>
      %add3A_177 = arith.constant 80 : i32
      %add3A_178 = arith.addi %mul3A_81, %add3A_177 : i32
      %get3A_179 = arith.index_cast %add3A_178 : i32 to index
      %get3A_180 = tpu.vector_load %arg6[%get3A_179] {strides = array<i32>} : memref<16384xf32, #tpu.memory_space<vmem>>, vector<16xf32>,
      %get3A_181 = vector.shape_cast %get3A_180 : vector<16xf32> to vector<16xf32>
      %get3A_182 = arith.index_cast %add3A_178 : i32 to index
      %get3A_183 = tpu.vector_load %arg8[%get3A_182] {strides = array<i32>} : memref<16384xf32, #tpu.memory_space<vmem>>, vector<16xf32>,
      %get3A_184 = vector.shape_cast %get3A_183 : vector<16xf32> to vector<16xf32>
      %sub3A_185 = arith.subf %get3A_181, %get3A_184 : vector<16xf32>
      %mul3A_186 = arith.mulf %sub3A_185, %sub3A_185 : vector<16xf32>
      %gt3A_187 = arith.cmpf ogt, %mul3A_186, %select_n3A_173 : vector<16xf32>
      %add3A_188 = arith.constant 80 : i32
      %add3A_189 = arith.addi %add3A_85, %add3A_188 : i32
      %add3A_190 = vector.broadcast %add3A_189 : i32 to vector<16xi32>
      %add3A_191 = arith.addi %add3A_190, %iota3A : vector<16xi32>
      %select_n3A_192 = arith.select %gt3A_187, %mul3A_186, %select_n3A_173 : vector<16xi1>, vector<16xf32>
      %select_n3A_193 = arith.select %gt3A_187, %add3A_191, %select_n3A_174 : vector<16xi1>, vector<16xi32>
      %select_n3A_194 = arith.select %gt3A_187, %get3A_181, %select_n3A_175 : vector<16xi1>, vector<16xf32>
      %select_n3A_195 = arith.select %gt3A_187, %get3A_184, %select_n3A_176 : vector<16xi1>, vector<16xf32>
      %add3A_196 = arith.constant 96 : i32
      %add3A_197 = arith.addi %mul3A_81, %add3A_196 : i32
      %get3A_198 = arith.index_cast %add3A_197 : i32 to index
      %get3A_199 = tpu.vector_load %arg6[%get3A_198] {strides = array<i32>} : memref<16384xf32, #tpu.memory_space<vmem>>, vector<16xf32>,
      %get3A_200 = vector.shape_cast %get3A_199 : vector<16xf32> to vector<16xf32>
      %get3A_201 = arith.index_cast %add3A_197 : i32 to index
      %get3A_202 = tpu.vector_load %arg8[%get3A_201] {strides = array<i32>} : memref<16384xf32, #tpu.memory_space<vmem>>, vector<16xf32>,
      %get3A_203 = vector.shape_cast %get3A_202 : vector<16xf32> to vector<16xf32>
      %sub3A_204 = arith.subf %get3A_200, %get3A_203 : vector<16xf32>
      %mul3A_205 = arith.mulf %sub3A_204, %sub3A_204 : vector<16xf32>
      %gt3A_206 = arith.cmpf ogt, %mul3A_205, %select_n3A_192 : vector<16xf32>
      %add3A_207 = arith.constant 96 : i32
      %add3A_208 = arith.addi %add3A_85, %add3A_207 : i32
      %add3A_209 = vector.broadcast %add3A_208 : i32 to vector<16xi32>
      %add3A_210 = arith.addi %add3A_209, %iota3A : vector<16xi32>
      %select_n3A_211 = arith.select %gt3A_206, %mul3A_205, %select_n3A_192 : vector<16xi1>, vector<16xf32>
      %select_n3A_212 = arith.select %gt3A_206, %add3A_210, %select_n3A_193 : vector<16xi1>, vector<16xi32>
      %select_n3A_213 = arith.select %gt3A_206, %get3A_200, %select_n3A_194 : vector<16xi1>, vector<16xf32>
      %select_n3A_214 = arith.select %gt3A_206, %get3A_203, %select_n3A_195 : vector<16xi1>, vector<16xf32>
      %add3A_215 = arith.constant 112 : i32
      %add3A_216 = arith.addi %mul3A_81, %add3A_215 : i32
      %get3A_217 = arith.index_cast %add3A_216 : i32 to index
      %get3A_218 = tpu.vector_load %arg6[%get3A_217] {strides = array<i32>} : memref<16384xf32, #tpu.memory_space<vmem>>, vector<16xf32>,
      %get3A_219 = vector.shape_cast %get3A_218 : vector<16xf32> to vector<16xf32>
      %get3A_220 = arith.index_cast %add3A_216 : i32 to index
      %get3A_221 = tpu.vector_load %arg8[%get3A_220] {strides = array<i32>} : memref<16384xf32, #tpu.memory_space<vmem>>, vector<16xf32>,
      %get3A_222 = vector.shape_cast %get3A_221 : vector<16xf32> to vector<16xf32>
      %sub3A_223 = arith.subf %get3A_219, %get3A_222 : vector<16xf32>
      %mul3A_224 = arith.mulf %sub3A_223, %sub3A_223 : vector<16xf32>
      %gt3A_225 = arith.cmpf ogt, %mul3A_224, %select_n3A_211 : vector<16xf32>
      %add3A_226 = arith.constant 112 : i32
      %add3A_227 = arith.addi %add3A_85, %add3A_226 : i32
      %add3A_228 = vector.broadcast %add3A_227 : i32 to vector<16xi32>
      %add3A_229 = arith.addi %add3A_228, %iota3A : vector<16xi32>
      %select_n3A_230 = arith.select %gt3A_225, %mul3A_224, %select_n3A_211 : vector<16xi1>, vector<16xf32>
      %select_n3A_231 = arith.select %gt3A_225, %add3A_229, %select_n3A_212 : vector<16xi1>, vector<16xi32>
      %select_n3A_232 = arith.select %gt3A_225, %get3A_219, %select_n3A_213 : vector<16xi1>, vector<16xf32>
      %select_n3A_233 = arith.select %gt3A_225, %get3A_222, %select_n3A_214 : vector<16xi1>, vector<16xf32>
      scf.yield %select_n3A_230, %select_n3A_231, %select_n3A_232, %select_n3A_233 : vector<16xf32>, vector<16xi32>, vector<16xf32>, vector<16xf32>
    }
    %scan3A_35 = arith.constant 128 : i32
    %add3A_36 = arith.constant 2 : i32
    %add3A_37 = arith.addi %mul3A_26, %add3A_36 : i32
    %lt3A = arith.constant 2 : i32
    %lt3A_38 = arith.cmpi slt, %add3A_37, %lt3A : i32
    %convert_element_type3A = arith.extui %lt3A_38 : i1 to i32
    %cond3A = arith.constant 0 : i32
    %cond3A_39 = arith.cmpi ne, %convert_element_type3A, %cond3A : i32
    scf.if %cond3A_39 {
      %mul3A_75 = arith.constant 16384 : i32
      %mul3A_76 = arith.muli %add3A_37, %mul3A_75 : i32
      %add3A_77 = arith.addi %mul3A_2, %mul3A_76 : i32
      %dma_start3A_78 = tpu.memref_slice %arg2[%add3A_77] : memref<4194304xf32, #tpu.memory_space<hbm>> -> memref<16384xf32, #tpu.memory_space<hbm>>
      %dma_start3A_79 = tpu.memref_slice %arg2[%add3A_77] : memref<4194304xf32, #tpu.memory_space<hbm>> -> memref<16384xf32, #tpu.memory_space<hbm>>
      tpu.enqueue_dma source(%dma_start3A_79 : memref<16384xf32, #tpu.memory_space<hbm>>) target(%arg6 : memref<16384xf32, #tpu.memory_space<vmem>>) target_semaphore(%arg12 : memref<!tpu.dma_semaphore, #tpu.memory_space<semaphore_mem>>)
      %mul3A_80 = arith.constant 16384 : i32
      %mul3A_81 = arith.muli %add3A_37, %mul3A_80 : i32
      %add3A_82 = arith.addi %mul3A_2, %mul3A_81 : i32
      %dma_start3A_83 = tpu.memref_slice %arg3[%add3A_82] : memref<4194304xf32, #tpu.memory_space<hbm>> -> memref<16384xf32, #tpu.memory_space<hbm>>
      %dma_start3A_84 = tpu.memref_slice %arg3[%add3A_82] : memref<4194304xf32, #tpu.memory_space<hbm>> -> memref<16384xf32, #tpu.memory_space<hbm>>
      tpu.enqueue_dma source(%dma_start3A_84 : memref<16384xf32, #tpu.memory_space<hbm>>) target(%arg8 : memref<16384xf32, #tpu.memory_space<vmem>>) target_semaphore(%arg12 : memref<!tpu.dma_semaphore, #tpu.memory_space<semaphore_mem>>)
    } else {
    }
    %dma_wait3A_40 = tpu.memref_slice %arg2[%mul3A_2] : memref<4194304xf32, #tpu.memory_space<hbm>> -> memref<16384xf32, #tpu.memory_space<hbm>>
    %dma_wait3A_41 = tpu.memref_slice %arg2[%mul3A_2] : memref<4194304xf32, #tpu.memory_space<hbm>> -> memref<16384xf32, #tpu.memory_space<hbm>>
    tpu.wait_dma2 semaphore(%arg13 : memref<!tpu.dma_semaphore, #tpu.memory_space<semaphore_mem>>) src(%dma_wait3A_41 : memref<16384xf32, #tpu.memory_space<hbm>>) dst(%arg7 : memref<16384xf32, #tpu.memory_space<vmem>>)
    %dma_wait3A_42 = tpu.memref_slice %arg3[%mul3A_2] : memref<4194304xf32, #tpu.memory_space<hbm>> -> memref<16384xf32, #tpu.memory_space<hbm>>
    %dma_wait3A_43 = tpu.memref_slice %arg3[%mul3A_2] : memref<4194304xf32, #tpu.memory_space<hbm>> -> memref<16384xf32, #tpu.memory_space<hbm>>
    tpu.wait_dma2 semaphore(%arg13 : memref<!tpu.dma_semaphore, #tpu.memory_space<semaphore_mem>>) src(%dma_wait3A_43 : memref<16384xf32, #tpu.memory_space<hbm>>) dst(%arg9 : memref<16384xf32, #tpu.memory_space<vmem>>)
    %add3A_44 = arith.constant 1 : i32
    %add3A_45 = arith.addi %mul3A_26, %add3A_44 : i32
    %scan3A_46 = arith.constant 0 : i32
    %scan3A_47 = arith.constant 128 : i32
    %scan3A_48 = arith.addi %scan3A_46, %scan3A_47 : i32
    %scan3A_49 = arith.constant 1 : i32
    %scan3A_50:4 = scf.for %scan3A_75 = %scan3A_46 to %scan3A_48 step %scan3A_49 iter_args(%scan3A_76 = %scan3A_34#0, %scan3A_77 = %scan3A_34#1, %scan3A_78 = %scan3A_34#2, %scan3A_79 = %scan3A_34#3) -> (vector<16xf32>, vector<16xi32>, vector<16xf32>, vector<16xf32>)  : i32 {
      %mul3A_80 = arith.constant 128 : i32
      %mul3A_81 = arith.muli %scan3A_75, %mul3A_80 : i32
      %mul3A_82 = arith.constant 16384 : i32
      %mul3A_83 = arith.muli %add3A_45, %mul3A_82 : i32
      %add3A_84 = arith.addi %mul3A_2, %mul3A_83 : i32
      %add3A_85 = arith.addi %add3A_84, %mul3A_81 : i32
      %add3A_86 = arith.constant 0 : i32
      %add3A_87 = arith.addi %mul3A_81, %add3A_86 : i32
      %get3A = arith.index_cast %add3A_87 : i32 to index
      %get3A_88 = tpu.vector_load %arg7[%get3A] {strides = array<i32>} : memref<16384xf32, #tpu.memory_space<vmem>>, vector<16xf32>,
      %get3A_89 = vector.shape_cast %get3A_88 : vector<16xf32> to vector<16xf32>
      %get3A_90 = arith.index_cast %add3A_87 : i32 to index
      %get3A_91 = tpu.vector_load %arg9[%get3A_90] {strides = array<i32>} : memref<16384xf32, #tpu.memory_space<vmem>>, vector<16xf32>,
      %get3A_92 = vector.shape_cast %get3A_91 : vector<16xf32> to vector<16xf32>
      %sub3A = arith.subf %get3A_89, %get3A_92 : vector<16xf32>
      %mul3A_93 = arith.mulf %sub3A, %sub3A : vector<16xf32>
      %gt3A = arith.cmpf ogt, %mul3A_93, %scan3A_76 : vector<16xf32>
      %add3A_94 = arith.constant 0 : i32
      %add3A_95 = arith.addi %add3A_85, %add3A_94 : i32
      %add3A_96 = vector.broadcast %add3A_95 : i32 to vector<16xi32>
      %add3A_97 = arith.addi %add3A_96, %iota3A : vector<16xi32>
      %select_n3A = arith.select %gt3A, %mul3A_93, %scan3A_76 : vector<16xi1>, vector<16xf32>
      %select_n3A_98 = arith.select %gt3A, %add3A_97, %scan3A_77 : vector<16xi1>, vector<16xi32>
      %select_n3A_99 = arith.select %gt3A, %get3A_89, %scan3A_78 : vector<16xi1>, vector<16xf32>
      %select_n3A_100 = arith.select %gt3A, %get3A_92, %scan3A_79 : vector<16xi1>, vector<16xf32>
      %add3A_101 = arith.constant 16 : i32
      %add3A_102 = arith.addi %mul3A_81, %add3A_101 : i32
      %get3A_103 = arith.index_cast %add3A_102 : i32 to index
      %get3A_104 = tpu.vector_load %arg7[%get3A_103] {strides = array<i32>} : memref<16384xf32, #tpu.memory_space<vmem>>, vector<16xf32>,
      %get3A_105 = vector.shape_cast %get3A_104 : vector<16xf32> to vector<16xf32>
      %get3A_106 = arith.index_cast %add3A_102 : i32 to index
      %get3A_107 = tpu.vector_load %arg9[%get3A_106] {strides = array<i32>} : memref<16384xf32, #tpu.memory_space<vmem>>, vector<16xf32>,
      %get3A_108 = vector.shape_cast %get3A_107 : vector<16xf32> to vector<16xf32>
      %sub3A_109 = arith.subf %get3A_105, %get3A_108 : vector<16xf32>
      %mul3A_110 = arith.mulf %sub3A_109, %sub3A_109 : vector<16xf32>
      %gt3A_111 = arith.cmpf ogt, %mul3A_110, %select_n3A : vector<16xf32>
      %add3A_112 = arith.constant 16 : i32
      %add3A_113 = arith.addi %add3A_85, %add3A_112 : i32
      %add3A_114 = vector.broadcast %add3A_113 : i32 to vector<16xi32>
      %add3A_115 = arith.addi %add3A_114, %iota3A : vector<16xi32>
      %select_n3A_116 = arith.select %gt3A_111, %mul3A_110, %select_n3A : vector<16xi1>, vector<16xf32>
      %select_n3A_117 = arith.select %gt3A_111, %add3A_115, %select_n3A_98 : vector<16xi1>, vector<16xi32>
      %select_n3A_118 = arith.select %gt3A_111, %get3A_105, %select_n3A_99 : vector<16xi1>, vector<16xf32>
      %select_n3A_119 = arith.select %gt3A_111, %get3A_108, %select_n3A_100 : vector<16xi1>, vector<16xf32>
      %add3A_120 = arith.constant 32 : i32
      %add3A_121 = arith.addi %mul3A_81, %add3A_120 : i32
      %get3A_122 = arith.index_cast %add3A_121 : i32 to index
      %get3A_123 = tpu.vector_load %arg7[%get3A_122] {strides = array<i32>} : memref<16384xf32, #tpu.memory_space<vmem>>, vector<16xf32>,
      %get3A_124 = vector.shape_cast %get3A_123 : vector<16xf32> to vector<16xf32>
      %get3A_125 = arith.index_cast %add3A_121 : i32 to index
      %get3A_126 = tpu.vector_load %arg9[%get3A_125] {strides = array<i32>} : memref<16384xf32, #tpu.memory_space<vmem>>, vector<16xf32>,
      %get3A_127 = vector.shape_cast %get3A_126 : vector<16xf32> to vector<16xf32>
      %sub3A_128 = arith.subf %get3A_124, %get3A_127 : vector<16xf32>
      %mul3A_129 = arith.mulf %sub3A_128, %sub3A_128 : vector<16xf32>
      %gt3A_130 = arith.cmpf ogt, %mul3A_129, %select_n3A_116 : vector<16xf32>
      %add3A_131 = arith.constant 32 : i32
      %add3A_132 = arith.addi %add3A_85, %add3A_131 : i32
      %add3A_133 = vector.broadcast %add3A_132 : i32 to vector<16xi32>
      %add3A_134 = arith.addi %add3A_133, %iota3A : vector<16xi32>
      %select_n3A_135 = arith.select %gt3A_130, %mul3A_129, %select_n3A_116 : vector<16xi1>, vector<16xf32>
      %select_n3A_136 = arith.select %gt3A_130, %add3A_134, %select_n3A_117 : vector<16xi1>, vector<16xi32>
      %select_n3A_137 = arith.select %gt3A_130, %get3A_124, %select_n3A_118 : vector<16xi1>, vector<16xf32>
      %select_n3A_138 = arith.select %gt3A_130, %get3A_127, %select_n3A_119 : vector<16xi1>, vector<16xf32>
      %add3A_139 = arith.constant 48 : i32
      %add3A_140 = arith.addi %mul3A_81, %add3A_139 : i32
      %get3A_141 = arith.index_cast %add3A_140 : i32 to index
      %get3A_142 = tpu.vector_load %arg7[%get3A_141] {strides = array<i32>} : memref<16384xf32, #tpu.memory_space<vmem>>, vector<16xf32>,
      %get3A_143 = vector.shape_cast %get3A_142 : vector<16xf32> to vector<16xf32>
      %get3A_144 = arith.index_cast %add3A_140 : i32 to index
      %get3A_145 = tpu.vector_load %arg9[%get3A_144] {strides = array<i32>} : memref<16384xf32, #tpu.memory_space<vmem>>, vector<16xf32>,
      %get3A_146 = vector.shape_cast %get3A_145 : vector<16xf32> to vector<16xf32>
      %sub3A_147 = arith.subf %get3A_143, %get3A_146 : vector<16xf32>
      %mul3A_148 = arith.mulf %sub3A_147, %sub3A_147 : vector<16xf32>
      %gt3A_149 = arith.cmpf ogt, %mul3A_148, %select_n3A_135 : vector<16xf32>
      %add3A_150 = arith.constant 48 : i32
      %add3A_151 = arith.addi %add3A_85, %add3A_150 : i32
      %add3A_152 = vector.broadcast %add3A_151 : i32 to vector<16xi32>
      %add3A_153 = arith.addi %add3A_152, %iota3A : vector<16xi32>
      %select_n3A_154 = arith.select %gt3A_149, %mul3A_148, %select_n3A_135 : vector<16xi1>, vector<16xf32>
      %select_n3A_155 = arith.select %gt3A_149, %add3A_153, %select_n3A_136 : vector<16xi1>, vector<16xi32>
      %select_n3A_156 = arith.select %gt3A_149, %get3A_143, %select_n3A_137 : vector<16xi1>, vector<16xf32>
      %select_n3A_157 = arith.select %gt3A_149, %get3A_146, %select_n3A_138 : vector<16xi1>, vector<16xf32>
      %add3A_158 = arith.constant 64 : i32
      %add3A_159 = arith.addi %mul3A_81, %add3A_158 : i32
      %get3A_160 = arith.index_cast %add3A_159 : i32 to index
      %get3A_161 = tpu.vector_load %arg7[%get3A_160] {strides = array<i32>} : memref<16384xf32, #tpu.memory_space<vmem>>, vector<16xf32>,
      %get3A_162 = vector.shape_cast %get3A_161 : vector<16xf32> to vector<16xf32>
      %get3A_163 = arith.index_cast %add3A_159 : i32 to index
      %get3A_164 = tpu.vector_load %arg9[%get3A_163] {strides = array<i32>} : memref<16384xf32, #tpu.memory_space<vmem>>, vector<16xf32>,
      %get3A_165 = vector.shape_cast %get3A_164 : vector<16xf32> to vector<16xf32>
      %sub3A_166 = arith.subf %get3A_162, %get3A_165 : vector<16xf32>
      %mul3A_167 = arith.mulf %sub3A_166, %sub3A_166 : vector<16xf32>
      %gt3A_168 = arith.cmpf ogt, %mul3A_167, %select_n3A_154 : vector<16xf32>
      %add3A_169 = arith.constant 64 : i32
      %add3A_170 = arith.addi %add3A_85, %add3A_169 : i32
      %add3A_171 = vector.broadcast %add3A_170 : i32 to vector<16xi32>
      %add3A_172 = arith.addi %add3A_171, %iota3A : vector<16xi32>
      %select_n3A_173 = arith.select %gt3A_168, %mul3A_167, %select_n3A_154 : vector<16xi1>, vector<16xf32>
      %select_n3A_174 = arith.select %gt3A_168, %add3A_172, %select_n3A_155 : vector<16xi1>, vector<16xi32>
      %select_n3A_175 = arith.select %gt3A_168, %get3A_162, %select_n3A_156 : vector<16xi1>, vector<16xf32>
      %select_n3A_176 = arith.select %gt3A_168, %get3A_165, %select_n3A_157 : vector<16xi1>, vector<16xf32>
      %add3A_177 = arith.constant 80 : i32
      %add3A_178 = arith.addi %mul3A_81, %add3A_177 : i32
      %get3A_179 = arith.index_cast %add3A_178 : i32 to index
      %get3A_180 = tpu.vector_load %arg7[%get3A_179] {strides = array<i32>} : memref<16384xf32, #tpu.memory_space<vmem>>, vector<16xf32>,
      %get3A_181 = vector.shape_cast %get3A_180 : vector<16xf32> to vector<16xf32>
      %get3A_182 = arith.index_cast %add3A_178 : i32 to index
      %get3A_183 = tpu.vector_load %arg9[%get3A_182] {strides = array<i32>} : memref<16384xf32, #tpu.memory_space<vmem>>, vector<16xf32>,
      %get3A_184 = vector.shape_cast %get3A_183 : vector<16xf32> to vector<16xf32>
      %sub3A_185 = arith.subf %get3A_181, %get3A_184 : vector<16xf32>
      %mul3A_186 = arith.mulf %sub3A_185, %sub3A_185 : vector<16xf32>
      %gt3A_187 = arith.cmpf ogt, %mul3A_186, %select_n3A_173 : vector<16xf32>
      %add3A_188 = arith.constant 80 : i32
      %add3A_189 = arith.addi %add3A_85, %add3A_188 : i32
      %add3A_190 = vector.broadcast %add3A_189 : i32 to vector<16xi32>
      %add3A_191 = arith.addi %add3A_190, %iota3A : vector<16xi32>
      %select_n3A_192 = arith.select %gt3A_187, %mul3A_186, %select_n3A_173 : vector<16xi1>, vector<16xf32>
      %select_n3A_193 = arith.select %gt3A_187, %add3A_191, %select_n3A_174 : vector<16xi1>, vector<16xi32>
      %select_n3A_194 = arith.select %gt3A_187, %get3A_181, %select_n3A_175 : vector<16xi1>, vector<16xf32>
      %select_n3A_195 = arith.select %gt3A_187, %get3A_184, %select_n3A_176 : vector<16xi1>, vector<16xf32>
      %add3A_196 = arith.constant 96 : i32
      %add3A_197 = arith.addi %mul3A_81, %add3A_196 : i32
      %get3A_198 = arith.index_cast %add3A_197 : i32 to index
      %get3A_199 = tpu.vector_load %arg7[%get3A_198] {strides = array<i32>} : memref<16384xf32, #tpu.memory_space<vmem>>, vector<16xf32>,
      %get3A_200 = vector.shape_cast %get3A_199 : vector<16xf32> to vector<16xf32>
      %get3A_201 = arith.index_cast %add3A_197 : i32 to index
      %get3A_202 = tpu.vector_load %arg9[%get3A_201] {strides = array<i32>} : memref<16384xf32, #tpu.memory_space<vmem>>, vector<16xf32>,
      %get3A_203 = vector.shape_cast %get3A_202 : vector<16xf32> to vector<16xf32>
      %sub3A_204 = arith.subf %get3A_200, %get3A_203 : vector<16xf32>
      %mul3A_205 = arith.mulf %sub3A_204, %sub3A_204 : vector<16xf32>
      %gt3A_206 = arith.cmpf ogt, %mul3A_205, %select_n3A_192 : vector<16xf32>
      %add3A_207 = arith.constant 96 : i32
      %add3A_208 = arith.addi %add3A_85, %add3A_207 : i32
      %add3A_209 = vector.broadcast %add3A_208 : i32 to vector<16xi32>
      %add3A_210 = arith.addi %add3A_209, %iota3A : vector<16xi32>
      %select_n3A_211 = arith.select %gt3A_206, %mul3A_205, %select_n3A_192 : vector<16xi1>, vector<16xf32>
      %select_n3A_212 = arith.select %gt3A_206, %add3A_210, %select_n3A_193 : vector<16xi1>, vector<16xi32>
      %select_n3A_213 = arith.select %gt3A_206, %get3A_200, %select_n3A_194 : vector<16xi1>, vector<16xf32>
      %select_n3A_214 = arith.select %gt3A_206, %get3A_203, %select_n3A_195 : vector<16xi1>, vector<16xf32>
      %add3A_215 = arith.constant 112 : i32
      %add3A_216 = arith.addi %mul3A_81, %add3A_215 : i32
      %get3A_217 = arith.index_cast %add3A_216 : i32 to index
      %get3A_218 = tpu.vector_load %arg7[%get3A_217] {strides = array<i32>} : memref<16384xf32, #tpu.memory_space<vmem>>, vector<16xf32>,
      %get3A_219 = vector.shape_cast %get3A_218 : vector<16xf32> to vector<16xf32>
      %get3A_220 = arith.index_cast %add3A_216 : i32 to index
      %get3A_221 = tpu.vector_load %arg9[%get3A_220] {strides = array<i32>} : memref<16384xf32, #tpu.memory_space<vmem>>, vector<16xf32>,
      %get3A_222 = vector.shape_cast %get3A_221 : vector<16xf32> to vector<16xf32>
      %sub3A_223 = arith.subf %get3A_219, %get3A_222 : vector<16xf32>
      %mul3A_224 = arith.mulf %sub3A_223, %sub3A_223 : vector<16xf32>
      %gt3A_225 = arith.cmpf ogt, %mul3A_224, %select_n3A_211 : vector<16xf32>
      %add3A_226 = arith.constant 112 : i32
      %add3A_227 = arith.addi %add3A_85, %add3A_226 : i32
      %add3A_228 = vector.broadcast %add3A_227 : i32 to vector<16xi32>
      %add3A_229 = arith.addi %add3A_228, %iota3A : vector<16xi32>
      %select_n3A_230 = arith.select %gt3A_225, %mul3A_224, %select_n3A_211 : vector<16xi1>, vector<16xf32>
      %select_n3A_231 = arith.select %gt3A_225, %add3A_229, %select_n3A_212 : vector<16xi1>, vector<16xi32>
      %select_n3A_232 = arith.select %gt3A_225, %get3A_219, %select_n3A_213 : vector<16xi1>, vector<16xf32>
      %select_n3A_233 = arith.select %gt3A_225, %get3A_222, %select_n3A_214 : vector<16xi1>, vector<16xf32>
      scf.yield %select_n3A_230, %select_n3A_231, %select_n3A_232, %select_n3A_233 : vector<16xf32>, vector<16xi32>, vector<16xf32>, vector<16xf32>
    }
    %scan3A_51 = arith.constant 128 : i32
    %add3A_52 = arith.constant 3 : i32
    %add3A_53 = arith.addi %mul3A_26, %add3A_52 : i32
    %lt3A_54 = arith.constant 2 : i32
    %lt3A_55 = arith.cmpi slt, %add3A_53, %lt3A_54 : i32
    %convert_element_type3A_56 = arith.extui %lt3A_55 : i1 to i32
    %cond3A_57 = arith.constant 0 : i32
    %cond3A_58 = arith.cmpi ne, %convert_element_type3A_56, %cond3A_57 : i32
    scf.if %cond3A_58 {
      %mul3A_75 = arith.constant 16384 : i32
      %mul3A_76 = arith.muli %add3A_53, %mul3A_75 : i32
      %add3A_77 = arith.addi %mul3A_2, %mul3A_76 : i32
      %dma_start3A_78 = tpu.memref_slice %arg2[%add3A_77] : memref<4194304xf32, #tpu.memory_space<hbm>> -> memref<16384xf32, #tpu.memory_space<hbm>>
      %dma_start3A_79 = tpu.memref_slice %arg2[%add3A_77] : memref<4194304xf32, #tpu.memory_space<hbm>> -> memref<16384xf32, #tpu.memory_space<hbm>>
      tpu.enqueue_dma source(%dma_start3A_79 : memref<16384xf32, #tpu.memory_space<hbm>>) target(%arg7 : memref<16384xf32, #tpu.memory_space<vmem>>) target_semaphore(%arg13 : memref<!tpu.dma_semaphore, #tpu.memory_space<semaphore_mem>>)
      %mul3A_80 = arith.constant 16384 : i32
      %mul3A_81 = arith.muli %add3A_53, %mul3A_80 : i32
      %add3A_82 = arith.addi %mul3A_2, %mul3A_81 : i32
      %dma_start3A_83 = tpu.memref_slice %arg3[%add3A_82] : memref<4194304xf32, #tpu.memory_space<hbm>> -> memref<16384xf32, #tpu.memory_space<hbm>>
      %dma_start3A_84 = tpu.memref_slice %arg3[%add3A_82] : memref<4194304xf32, #tpu.memory_space<hbm>> -> memref<16384xf32, #tpu.memory_space<hbm>>
      tpu.enqueue_dma source(%dma_start3A_84 : memref<16384xf32, #tpu.memory_space<hbm>>) target(%arg9 : memref<16384xf32, #tpu.memory_space<vmem>>) target_semaphore(%arg13 : memref<!tpu.dma_semaphore, #tpu.memory_space<semaphore_mem>>)
    } else {
    }
    %scan3A_59 = arith.constant 1 : i32
    %swap3A = arith.constant 0 : index
    %swap3A_60 = tpu.vector_load %arg10[%swap3A] {strides = array<i32>} : memref<48xf32, #tpu.memory_space<vmem>>, vector<16xf32>,
    %swap3A_61 = vector.shape_cast %swap3A_60 : vector<16xf32> to vector<16xf32>
    %swap3A_62 = vector.shape_cast %scan3A_50#0 : vector<16xf32> to vector<16xf32>
    tpu.vector_store %arg10[%swap3A], %swap3A_62 {strides = array<i32>} : memref<48xf32, #tpu.memory_space<vmem>>, vector<16xf32>,
    %swap3A_63 = arith.constant 16 : index
    %swap3A_64 = tpu.vector_load %arg10[%swap3A_63] {strides = array<i32>} : memref<48xf32, #tpu.memory_space<vmem>>, vector<16xf32>,
    %swap3A_65 = vector.shape_cast %swap3A_64 : vector<16xf32> to vector<16xf32>
    %swap3A_66 = vector.shape_cast %scan3A_50#2 : vector<16xf32> to vector<16xf32>
    tpu.vector_store %arg10[%swap3A_63], %swap3A_66 {strides = array<i32>} : memref<48xf32, #tpu.memory_space<vmem>>, vector<16xf32>,
    %swap3A_67 = arith.constant 32 : index
    %swap3A_68 = tpu.vector_load %arg10[%swap3A_67] {strides = array<i32>} : memref<48xf32, #tpu.memory_space<vmem>>, vector<16xf32>,
    %swap3A_69 = vector.shape_cast %swap3A_68 : vector<16xf32> to vector<16xf32>
    %swap3A_70 = vector.shape_cast %scan3A_50#3 : vector<16xf32> to vector<16xf32>
    tpu.vector_store %arg10[%swap3A_67], %swap3A_70 {strides = array<i32>} : memref<48xf32, #tpu.memory_space<vmem>>, vector<16xf32>,
    %swap3A_71 = arith.constant 0 : index
    %swap3A_72 = tpu.vector_load %arg11[%swap3A_71] {strides = array<i32>} : memref<16xi32, #tpu.memory_space<vmem>>, vector<16xi32>,
    %swap3A_73 = vector.shape_cast %swap3A_72 : vector<16xi32> to vector<16xi32>
    %swap3A_74 = vector.shape_cast %scan3A_50#1 : vector<16xi32> to vector<16xi32>
    tpu.vector_store %arg11[%swap3A_71], %swap3A_74 {strides = array<i32>} : memref<16xi32, #tpu.memory_space<vmem>>, vector<16xi32>,
    "tpu.region"() ({
      %run_scoped3A = tpu.sem_alloc : memref<!tpu.dma_semaphore, #tpu.memory_space<semaphore_mem>>
      %dma_start3A_75 = arith.constant 0 : i32
      %dma_start3A_76 = tpu.memref_slice %arg4[%add3A, %dma_start3A_75] : memref<32x48xf32, #tpu.memory_space<hbm>> -> memref<1x48xf32, #tpu.memory_space<hbm>>
      %dma_start3A_77 = tpu.memref_squeeze %dma_start3A_76 : memref<1x48xf32, #tpu.memory_space<hbm>> -> memref<48xf32, #tpu.memory_space<hbm>>
      %dma_start3A_78 = arith.constant 0 : i32
      %dma_start3A_79 = tpu.memref_slice %arg4[%add3A, %dma_start3A_78] : memref<32x48xf32, #tpu.memory_space<hbm>> -> memref<1x48xf32, #tpu.memory_space<hbm>>
      %dma_start3A_80 = tpu.memref_squeeze %dma_start3A_79 : memref<1x48xf32, #tpu.memory_space<hbm>> -> memref<48xf32, #tpu.memory_space<hbm>>
      tpu.enqueue_dma source(%arg10 : memref<48xf32, #tpu.memory_space<vmem>>) target(%dma_start3A_80 : memref<48xf32, #tpu.memory_space<hbm>>) target_semaphore(%run_scoped3A : memref<!tpu.dma_semaphore, #tpu.memory_space<semaphore_mem>>)
      %dma_wait3A_81 = arith.constant 0 : i32
      %dma_wait3A_82 = tpu.memref_slice %arg4[%add3A, %dma_wait3A_81] : memref<32x48xf32, #tpu.memory_space<hbm>> -> memref<1x48xf32, #tpu.memory_space<hbm>>
      %dma_wait3A_83 = tpu.memref_squeeze %dma_wait3A_82 : memref<1x48xf32, #tpu.memory_space<hbm>> -> memref<48xf32, #tpu.memory_space<hbm>>
      %dma_wait3A_84 = arith.constant 0 : i32
      %dma_wait3A_85 = tpu.memref_slice %arg4[%add3A, %dma_wait3A_84] : memref<32x48xf32, #tpu.memory_space<hbm>> -> memref<1x48xf32, #tpu.memory_space<hbm>>
      %dma_wait3A_86 = tpu.memref_squeeze %dma_wait3A_85 : memref<1x48xf32, #tpu.memory_space<hbm>> -> memref<48xf32, #tpu.memory_space<hbm>>
      tpu.wait_dma2 semaphore(%run_scoped3A : memref<!tpu.dma_semaphore, #tpu.memory_space<semaphore_mem>>) src(%arg10 : memref<48xf32, #tpu.memory_space<vmem>>) dst(%dma_wait3A_86 : memref<48xf32, #tpu.memory_space<hbm>>)
      tpu.yield
    }) : () -> ()
    "tpu.region"() ({
      %run_scoped3A = tpu.sem_alloc : memref<!tpu.dma_semaphore, #tpu.memory_space<semaphore_mem>>
      %dma_start3A_75 = arith.constant 0 : i32
      %dma_start3A_76 = tpu.memref_slice %arg5[%add3A, %dma_start3A_75] : memref<32x16xi32, #tpu.memory_space<hbm>> -> memref<1x16xi32, #tpu.memory_space<hbm>>
      %dma_start3A_77 = tpu.memref_squeeze %dma_start3A_76 : memref<1x16xi32, #tpu.memory_space<hbm>> -> memref<16xi32, #tpu.memory_space<hbm>>
      %dma_start3A_78 = arith.constant 0 : i32
      %dma_start3A_79 = tpu.memref_slice %arg5[%add3A, %dma_start3A_78] : memref<32x16xi32, #tpu.memory_space<hbm>> -> memref<1x16xi32, #tpu.memory_space<hbm>>
      %dma_start3A_80 = tpu.memref_squeeze %dma_start3A_79 : memref<1x16xi32, #tpu.memory_space<hbm>> -> memref<16xi32, #tpu.memory_space<hbm>>
      tpu.enqueue_dma source(%arg11 : memref<16xi32, #tpu.memory_space<vmem>>) target(%dma_start3A_80 : memref<16xi32, #tpu.memory_space<hbm>>) target_semaphore(%run_scoped3A : memref<!tpu.dma_semaphore, #tpu.memory_space<semaphore_mem>>)
      %dma_wait3A_81 = arith.constant 0 : i32
      %dma_wait3A_82 = tpu.memref_slice %arg5[%add3A, %dma_wait3A_81] : memref<32x16xi32, #tpu.memory_space<hbm>> -> memref<1x16xi32, #tpu.memory_space<hbm>>
      %dma_wait3A_83 = tpu.memref_squeeze %dma_wait3A_82 : memref<1x16xi32, #tpu.memory_space<hbm>> -> memref<16xi32, #tpu.memory_space<hbm>>
      %dma_wait3A_84 = arith.constant 0 : i32
      %dma_wait3A_85 = tpu.memref_slice %arg5[%add3A, %dma_wait3A_84] : memref<32x16xi32, #tpu.memory_space<hbm>> -> memref<1x16xi32, #tpu.memory_space<hbm>>
      %dma_wait3A_86 = tpu.memref_squeeze %dma_wait3A_85 : memref<1x16xi32, #tpu.memory_space<hbm>> -> memref<16xi32, #tpu.memory_space<hbm>>
      tpu.wait_dma2 semaphore(%run_scoped3A : memref<!tpu.dma_semaphore, #tpu.memory_space<semaphore_mem>>) src(%arg11 : memref<16xi32, #tpu.memory_space<vmem>>) dst(%dma_wait3A_86 : memref<16xi32, #tpu.memory_space<hbm>>)
      tpu.yield
    }) : () -> ()
    return
  }
}

module attributes {stable_mosaic.version = 14 : i64} {
  func.func @_tc_body(%arg0: i32, %arg1: memref<1048576xf32, #tpu.memory_space<vmem>>, %arg2: memref<1048576xf32, #tpu.memory_space<vmem>>, %arg3: memref<192xf32, #tpu.memory_space<smem>>, %arg4: memref<1xf32, #tpu.memory_space<smem>>, %arg5: memref<1xi32, #tpu.memory_space<smem>>) attributes {dimension_semantics = [#tpu.dimension_semantics<arbitrary>], iteration_bounds = array<i64: 3>, scalar_prefetch = 0 : i64, scratch_operands = 0 : i64, tpu.core_type = #tpu.core_type<tc>, window_params = [{transform_indices = @transform_0, window_bounds = array<i64: 1048576>}, {transform_indices = @transform_1, window_bounds = array<i64: 1048576>}, {transform_indices = @transform_2, window_bounds = array<i64: 192>}, {transform_indices = @transform_3, window_bounds = array<i64: 1>}, {transform_indices = @transform_4, window_bounds = array<i64: 1>}]} {
    %get3A = arith.constant 0 : index
    %get3A_0 = vector.load %arg1[%get3A] : memref<1048576xf32, #tpu.memory_space<vmem>>, vector<1048576xf32>
    %reshape3A = vector.shape_cast %get3A_0 : vector<1048576xf32> to vector<8192x128xf32>
    %get3A_1 = arith.constant 0 : index
    %get3A_2 = vector.load %arg2[%get3A_1] : memref<1048576xf32, #tpu.memory_space<vmem>>, vector<1048576xf32>
    %reshape3A_3 = vector.shape_cast %get3A_2 : vector<1048576xf32> to vector<8192x128xf32>
    %sub3A = arith.subf %reshape3A, %reshape3A_3 : vector<8192x128xf32>
    %mul3A = arith.mulf %sub3A, %sub3A : vector<8192x128xf32>
    %slice3A = vector.extract_strided_slice %mul3A {offsets = [0, 0], sizes = [128, 128], strides = [1, 1]} : vector<8192x128xf32> to vector<128x128xf32>
    %reduce_max3A = vector.shape_cast %slice3A : vector<128x128xf32> to vector<1x128x128xf32>
    %reduce_max3A_4 = arith.constant dense<0xFF800000> : vector<1xf32>
    %reduce_max3A_5 = vector.multi_reduction <maximumf>, %reduce_max3A, %reduce_max3A_4 [1, 2] : vector<1x128x128xf32> to vector<1xf32>
    %reduce_max3A_6 = vector.shape_cast %reduce_max3A_5 : vector<1xf32> to vector<1x1x1xf32>
    %reduce_max3A_7 = vector.extract %reduce_max3A_6[0, 0, 0] : f32 from vector<1x1x1xf32>
    %mul3A_8 = arith.constant 64 : i32
    %mul3A_9 = arith.muli %arg0, %mul3A_8 : i32
    %add3A = arith.constant 0 : i32
    %add3A_10 = arith.addi %mul3A_9, %add3A : i32
    %swap3A = arith.index_cast %add3A_10 : i32 to index
    %swap3A_11 = memref.load %arg3[%swap3A] : memref<192xf32, #tpu.memory_space<smem>>
    memref.store %reduce_max3A_7, %arg3[%swap3A] : memref<192xf32, #tpu.memory_space<smem>>
    %slice3A_12 = vector.extract_strided_slice %mul3A {offsets = [128, 0], sizes = [128, 128], strides = [1, 1]} : vector<8192x128xf32> to vector<128x128xf32>
    %reduce_max3A_13 = vector.shape_cast %slice3A_12 : vector<128x128xf32> to vector<1x128x128xf32>
    %reduce_max3A_14 = arith.constant dense<0xFF800000> : vector<1xf32>
    %reduce_max3A_15 = vector.multi_reduction <maximumf>, %reduce_max3A_13, %reduce_max3A_14 [1, 2] : vector<1x128x128xf32> to vector<1xf32>
    %reduce_max3A_16 = vector.shape_cast %reduce_max3A_15 : vector<1xf32> to vector<1x1x1xf32>
    %reduce_max3A_17 = vector.extract %reduce_max3A_16[0, 0, 0] : f32 from vector<1x1x1xf32>
    %mul3A_18 = arith.constant 64 : i32
    %mul3A_19 = arith.muli %arg0, %mul3A_18 : i32
    %add3A_20 = arith.constant 1 : i32
    %add3A_21 = arith.addi %mul3A_19, %add3A_20 : i32
    %swap3A_22 = arith.index_cast %add3A_21 : i32 to index
    %swap3A_23 = memref.load %arg3[%swap3A_22] : memref<192xf32, #tpu.memory_space<smem>>
    memref.store %reduce_max3A_17, %arg3[%swap3A_22] : memref<192xf32, #tpu.memory_space<smem>>
    %slice3A_24 = vector.extract_strided_slice %mul3A {offsets = [256, 0], sizes = [128, 128], strides = [1, 1]} : vector<8192x128xf32> to vector<128x128xf32>
    %reduce_max3A_25 = vector.shape_cast %slice3A_24 : vector<128x128xf32> to vector<1x128x128xf32>
    %reduce_max3A_26 = arith.constant dense<0xFF800000> : vector<1xf32>
    %reduce_max3A_27 = vector.multi_reduction <maximumf>, %reduce_max3A_25, %reduce_max3A_26 [1, 2] : vector<1x128x128xf32> to vector<1xf32>
    %reduce_max3A_28 = vector.shape_cast %reduce_max3A_27 : vector<1xf32> to vector<1x1x1xf32>
    %reduce_max3A_29 = vector.extract %reduce_max3A_28[0, 0, 0] : f32 from vector<1x1x1xf32>
    %mul3A_30 = arith.constant 64 : i32
    %mul3A_31 = arith.muli %arg0, %mul3A_30 : i32
    %add3A_32 = arith.constant 2 : i32
    %add3A_33 = arith.addi %mul3A_31, %add3A_32 : i32
    %swap3A_34 = arith.index_cast %add3A_33 : i32 to index
    %swap3A_35 = memref.load %arg3[%swap3A_34] : memref<192xf32, #tpu.memory_space<smem>>
    memref.store %reduce_max3A_29, %arg3[%swap3A_34] : memref<192xf32, #tpu.memory_space<smem>>
    %slice3A_36 = vector.extract_strided_slice %mul3A {offsets = [384, 0], sizes = [128, 128], strides = [1, 1]} : vector<8192x128xf32> to vector<128x128xf32>
    %reduce_max3A_37 = vector.shape_cast %slice3A_36 : vector<128x128xf32> to vector<1x128x128xf32>
    %reduce_max3A_38 = arith.constant dense<0xFF800000> : vector<1xf32>
    %reduce_max3A_39 = vector.multi_reduction <maximumf>, %reduce_max3A_37, %reduce_max3A_38 [1, 2] : vector<1x128x128xf32> to vector<1xf32>
    %reduce_max3A_40 = vector.shape_cast %reduce_max3A_39 : vector<1xf32> to vector<1x1x1xf32>
    %reduce_max3A_41 = vector.extract %reduce_max3A_40[0, 0, 0] : f32 from vector<1x1x1xf32>
    %mul3A_42 = arith.constant 64 : i32
    %mul3A_43 = arith.muli %arg0, %mul3A_42 : i32
    %add3A_44 = arith.constant 3 : i32
    %add3A_45 = arith.addi %mul3A_43, %add3A_44 : i32
    %swap3A_46 = arith.index_cast %add3A_45 : i32 to index
    %swap3A_47 = memref.load %arg3[%swap3A_46] : memref<192xf32, #tpu.memory_space<smem>>
    memref.store %reduce_max3A_41, %arg3[%swap3A_46] : memref<192xf32, #tpu.memory_space<smem>>
    %slice3A_48 = vector.extract_strided_slice %mul3A {offsets = [512, 0], sizes = [128, 128], strides = [1, 1]} : vector<8192x128xf32> to vector<128x128xf32>
    %reduce_max3A_49 = vector.shape_cast %slice3A_48 : vector<128x128xf32> to vector<1x128x128xf32>
    %reduce_max3A_50 = arith.constant dense<0xFF800000> : vector<1xf32>
    %reduce_max3A_51 = vector.multi_reduction <maximumf>, %reduce_max3A_49, %reduce_max3A_50 [1, 2] : vector<1x128x128xf32> to vector<1xf32>
    %reduce_max3A_52 = vector.shape_cast %reduce_max3A_51 : vector<1xf32> to vector<1x1x1xf32>
    %reduce_max3A_53 = vector.extract %reduce_max3A_52[0, 0, 0] : f32 from vector<1x1x1xf32>
    %mul3A_54 = arith.constant 64 : i32
    %mul3A_55 = arith.muli %arg0, %mul3A_54 : i32
    %add3A_56 = arith.constant 4 : i32
    %add3A_57 = arith.addi %mul3A_55, %add3A_56 : i32
    %swap3A_58 = arith.index_cast %add3A_57 : i32 to index
    %swap3A_59 = memref.load %arg3[%swap3A_58] : memref<192xf32, #tpu.memory_space<smem>>
    memref.store %reduce_max3A_53, %arg3[%swap3A_58] : memref<192xf32, #tpu.memory_space<smem>>
    %slice3A_60 = vector.extract_strided_slice %mul3A {offsets = [640, 0], sizes = [128, 128], strides = [1, 1]} : vector<8192x128xf32> to vector<128x128xf32>
    %reduce_max3A_61 = vector.shape_cast %slice3A_60 : vector<128x128xf32> to vector<1x128x128xf32>
    %reduce_max3A_62 = arith.constant dense<0xFF800000> : vector<1xf32>
    %reduce_max3A_63 = vector.multi_reduction <maximumf>, %reduce_max3A_61, %reduce_max3A_62 [1, 2] : vector<1x128x128xf32> to vector<1xf32>
    %reduce_max3A_64 = vector.shape_cast %reduce_max3A_63 : vector<1xf32> to vector<1x1x1xf32>
    %reduce_max3A_65 = vector.extract %reduce_max3A_64[0, 0, 0] : f32 from vector<1x1x1xf32>
    %mul3A_66 = arith.constant 64 : i32
    %mul3A_67 = arith.muli %arg0, %mul3A_66 : i32
    %add3A_68 = arith.constant 5 : i32
    %add3A_69 = arith.addi %mul3A_67, %add3A_68 : i32
    %swap3A_70 = arith.index_cast %add3A_69 : i32 to index
    %swap3A_71 = memref.load %arg3[%swap3A_70] : memref<192xf32, #tpu.memory_space<smem>>
    memref.store %reduce_max3A_65, %arg3[%swap3A_70] : memref<192xf32, #tpu.memory_space<smem>>
    %slice3A_72 = vector.extract_strided_slice %mul3A {offsets = [768, 0], sizes = [128, 128], strides = [1, 1]} : vector<8192x128xf32> to vector<128x128xf32>
    %reduce_max3A_73 = vector.shape_cast %slice3A_72 : vector<128x128xf32> to vector<1x128x128xf32>
    %reduce_max3A_74 = arith.constant dense<0xFF800000> : vector<1xf32>
    %reduce_max3A_75 = vector.multi_reduction <maximumf>, %reduce_max3A_73, %reduce_max3A_74 [1, 2] : vector<1x128x128xf32> to vector<1xf32>
    %reduce_max3A_76 = vector.shape_cast %reduce_max3A_75 : vector<1xf32> to vector<1x1x1xf32>
    %reduce_max3A_77 = vector.extract %reduce_max3A_76[0, 0, 0] : f32 from vector<1x1x1xf32>
    %mul3A_78 = arith.constant 64 : i32
    %mul3A_79 = arith.muli %arg0, %mul3A_78 : i32
    %add3A_80 = arith.constant 6 : i32
    %add3A_81 = arith.addi %mul3A_79, %add3A_80 : i32
    %swap3A_82 = arith.index_cast %add3A_81 : i32 to index
    %swap3A_83 = memref.load %arg3[%swap3A_82] : memref<192xf32, #tpu.memory_space<smem>>
    memref.store %reduce_max3A_77, %arg3[%swap3A_82] : memref<192xf32, #tpu.memory_space<smem>>
    %slice3A_84 = vector.extract_strided_slice %mul3A {offsets = [896, 0], sizes = [128, 128], strides = [1, 1]} : vector<8192x128xf32> to vector<128x128xf32>
    %reduce_max3A_85 = vector.shape_cast %slice3A_84 : vector<128x128xf32> to vector<1x128x128xf32>
    %reduce_max3A_86 = arith.constant dense<0xFF800000> : vector<1xf32>
    %reduce_max3A_87 = vector.multi_reduction <maximumf>, %reduce_max3A_85, %reduce_max3A_86 [1, 2] : vector<1x128x128xf32> to vector<1xf32>
    %reduce_max3A_88 = vector.shape_cast %reduce_max3A_87 : vector<1xf32> to vector<1x1x1xf32>
    %reduce_max3A_89 = vector.extract %reduce_max3A_88[0, 0, 0] : f32 from vector<1x1x1xf32>
    %mul3A_90 = arith.constant 64 : i32
    %mul3A_91 = arith.muli %arg0, %mul3A_90 : i32
    %add3A_92 = arith.constant 7 : i32
    %add3A_93 = arith.addi %mul3A_91, %add3A_92 : i32
    %swap3A_94 = arith.index_cast %add3A_93 : i32 to index
    %swap3A_95 = memref.load %arg3[%swap3A_94] : memref<192xf32, #tpu.memory_space<smem>>
    memref.store %reduce_max3A_89, %arg3[%swap3A_94] : memref<192xf32, #tpu.memory_space<smem>>
    %slice3A_96 = vector.extract_strided_slice %mul3A {offsets = [1024, 0], sizes = [128, 128], strides = [1, 1]} : vector<8192x128xf32> to vector<128x128xf32>
    %reduce_max3A_97 = vector.shape_cast %slice3A_96 : vector<128x128xf32> to vector<1x128x128xf32>
    %reduce_max3A_98 = arith.constant dense<0xFF800000> : vector<1xf32>
    %reduce_max3A_99 = vector.multi_reduction <maximumf>, %reduce_max3A_97, %reduce_max3A_98 [1, 2] : vector<1x128x128xf32> to vector<1xf32>
    %reduce_max3A_100 = vector.shape_cast %reduce_max3A_99 : vector<1xf32> to vector<1x1x1xf32>
    %reduce_max3A_101 = vector.extract %reduce_max3A_100[0, 0, 0] : f32 from vector<1x1x1xf32>
    %mul3A_102 = arith.constant 64 : i32
    %mul3A_103 = arith.muli %arg0, %mul3A_102 : i32
    %add3A_104 = arith.constant 8 : i32
    %add3A_105 = arith.addi %mul3A_103, %add3A_104 : i32
    %swap3A_106 = arith.index_cast %add3A_105 : i32 to index
    %swap3A_107 = memref.load %arg3[%swap3A_106] : memref<192xf32, #tpu.memory_space<smem>>
    memref.store %reduce_max3A_101, %arg3[%swap3A_106] : memref<192xf32, #tpu.memory_space<smem>>
    %slice3A_108 = vector.extract_strided_slice %mul3A {offsets = [1152, 0], sizes = [128, 128], strides = [1, 1]} : vector<8192x128xf32> to vector<128x128xf32>
    %reduce_max3A_109 = vector.shape_cast %slice3A_108 : vector<128x128xf32> to vector<1x128x128xf32>
    %reduce_max3A_110 = arith.constant dense<0xFF800000> : vector<1xf32>
    %reduce_max3A_111 = vector.multi_reduction <maximumf>, %reduce_max3A_109, %reduce_max3A_110 [1, 2] : vector<1x128x128xf32> to vector<1xf32>
    %reduce_max3A_112 = vector.shape_cast %reduce_max3A_111 : vector<1xf32> to vector<1x1x1xf32>
    %reduce_max3A_113 = vector.extract %reduce_max3A_112[0, 0, 0] : f32 from vector<1x1x1xf32>
    %mul3A_114 = arith.constant 64 : i32
    %mul3A_115 = arith.muli %arg0, %mul3A_114 : i32
    %add3A_116 = arith.constant 9 : i32
    %add3A_117 = arith.addi %mul3A_115, %add3A_116 : i32
    %swap3A_118 = arith.index_cast %add3A_117 : i32 to index
    %swap3A_119 = memref.load %arg3[%swap3A_118] : memref<192xf32, #tpu.memory_space<smem>>
    memref.store %reduce_max3A_113, %arg3[%swap3A_118] : memref<192xf32, #tpu.memory_space<smem>>
    %slice3A_120 = vector.extract_strided_slice %mul3A {offsets = [1280, 0], sizes = [128, 128], strides = [1, 1]} : vector<8192x128xf32> to vector<128x128xf32>
    %reduce_max3A_121 = vector.shape_cast %slice3A_120 : vector<128x128xf32> to vector<1x128x128xf32>
    %reduce_max3A_122 = arith.constant dense<0xFF800000> : vector<1xf32>
    %reduce_max3A_123 = vector.multi_reduction <maximumf>, %reduce_max3A_121, %reduce_max3A_122 [1, 2] : vector<1x128x128xf32> to vector<1xf32>
    %reduce_max3A_124 = vector.shape_cast %reduce_max3A_123 : vector<1xf32> to vector<1x1x1xf32>
    %reduce_max3A_125 = vector.extract %reduce_max3A_124[0, 0, 0] : f32 from vector<1x1x1xf32>
    %mul3A_126 = arith.constant 64 : i32
    %mul3A_127 = arith.muli %arg0, %mul3A_126 : i32
    %add3A_128 = arith.constant 10 : i32
    %add3A_129 = arith.addi %mul3A_127, %add3A_128 : i32
    %swap3A_130 = arith.index_cast %add3A_129 : i32 to index
    %swap3A_131 = memref.load %arg3[%swap3A_130] : memref<192xf32, #tpu.memory_space<smem>>
    memref.store %reduce_max3A_125, %arg3[%swap3A_130] : memref<192xf32, #tpu.memory_space<smem>>
    %slice3A_132 = vector.extract_strided_slice %mul3A {offsets = [1408, 0], sizes = [128, 128], strides = [1, 1]} : vector<8192x128xf32> to vector<128x128xf32>
    %reduce_max3A_133 = vector.shape_cast %slice3A_132 : vector<128x128xf32> to vector<1x128x128xf32>
    %reduce_max3A_134 = arith.constant dense<0xFF800000> : vector<1xf32>
    %reduce_max3A_135 = vector.multi_reduction <maximumf>, %reduce_max3A_133, %reduce_max3A_134 [1, 2] : vector<1x128x128xf32> to vector<1xf32>
    %reduce_max3A_136 = vector.shape_cast %reduce_max3A_135 : vector<1xf32> to vector<1x1x1xf32>
    %reduce_max3A_137 = vector.extract %reduce_max3A_136[0, 0, 0] : f32 from vector<1x1x1xf32>
    %mul3A_138 = arith.constant 64 : i32
    %mul3A_139 = arith.muli %arg0, %mul3A_138 : i32
    %add3A_140 = arith.constant 11 : i32
    %add3A_141 = arith.addi %mul3A_139, %add3A_140 : i32
    %swap3A_142 = arith.index_cast %add3A_141 : i32 to index
    %swap3A_143 = memref.load %arg3[%swap3A_142] : memref<192xf32, #tpu.memory_space<smem>>
    memref.store %reduce_max3A_137, %arg3[%swap3A_142] : memref<192xf32, #tpu.memory_space<smem>>
    %slice3A_144 = vector.extract_strided_slice %mul3A {offsets = [1536, 0], sizes = [128, 128], strides = [1, 1]} : vector<8192x128xf32> to vector<128x128xf32>
    %reduce_max3A_145 = vector.shape_cast %slice3A_144 : vector<128x128xf32> to vector<1x128x128xf32>
    %reduce_max3A_146 = arith.constant dense<0xFF800000> : vector<1xf32>
    %reduce_max3A_147 = vector.multi_reduction <maximumf>, %reduce_max3A_145, %reduce_max3A_146 [1, 2] : vector<1x128x128xf32> to vector<1xf32>
    %reduce_max3A_148 = vector.shape_cast %reduce_max3A_147 : vector<1xf32> to vector<1x1x1xf32>
    %reduce_max3A_149 = vector.extract %reduce_max3A_148[0, 0, 0] : f32 from vector<1x1x1xf32>
    %mul3A_150 = arith.constant 64 : i32
    %mul3A_151 = arith.muli %arg0, %mul3A_150 : i32
    %add3A_152 = arith.constant 12 : i32
    %add3A_153 = arith.addi %mul3A_151, %add3A_152 : i32
    %swap3A_154 = arith.index_cast %add3A_153 : i32 to index
    %swap3A_155 = memref.load %arg3[%swap3A_154] : memref<192xf32, #tpu.memory_space<smem>>
    memref.store %reduce_max3A_149, %arg3[%swap3A_154] : memref<192xf32, #tpu.memory_space<smem>>
    %slice3A_156 = vector.extract_strided_slice %mul3A {offsets = [1664, 0], sizes = [128, 128], strides = [1, 1]} : vector<8192x128xf32> to vector<128x128xf32>
    %reduce_max3A_157 = vector.shape_cast %slice3A_156 : vector<128x128xf32> to vector<1x128x128xf32>
    %reduce_max3A_158 = arith.constant dense<0xFF800000> : vector<1xf32>
    %reduce_max3A_159 = vector.multi_reduction <maximumf>, %reduce_max3A_157, %reduce_max3A_158 [1, 2] : vector<1x128x128xf32> to vector<1xf32>
    %reduce_max3A_160 = vector.shape_cast %reduce_max3A_159 : vector<1xf32> to vector<1x1x1xf32>
    %reduce_max3A_161 = vector.extract %reduce_max3A_160[0, 0, 0] : f32 from vector<1x1x1xf32>
    %mul3A_162 = arith.constant 64 : i32
    %mul3A_163 = arith.muli %arg0, %mul3A_162 : i32
    %add3A_164 = arith.constant 13 : i32
    %add3A_165 = arith.addi %mul3A_163, %add3A_164 : i32
    %swap3A_166 = arith.index_cast %add3A_165 : i32 to index
    %swap3A_167 = memref.load %arg3[%swap3A_166] : memref<192xf32, #tpu.memory_space<smem>>
    memref.store %reduce_max3A_161, %arg3[%swap3A_166] : memref<192xf32, #tpu.memory_space<smem>>
    %slice3A_168 = vector.extract_strided_slice %mul3A {offsets = [1792, 0], sizes = [128, 128], strides = [1, 1]} : vector<8192x128xf32> to vector<128x128xf32>
    %reduce_max3A_169 = vector.shape_cast %slice3A_168 : vector<128x128xf32> to vector<1x128x128xf32>
    %reduce_max3A_170 = arith.constant dense<0xFF800000> : vector<1xf32>
    %reduce_max3A_171 = vector.multi_reduction <maximumf>, %reduce_max3A_169, %reduce_max3A_170 [1, 2] : vector<1x128x128xf32> to vector<1xf32>
    %reduce_max3A_172 = vector.shape_cast %reduce_max3A_171 : vector<1xf32> to vector<1x1x1xf32>
    %reduce_max3A_173 = vector.extract %reduce_max3A_172[0, 0, 0] : f32 from vector<1x1x1xf32>
    %mul3A_174 = arith.constant 64 : i32
    %mul3A_175 = arith.muli %arg0, %mul3A_174 : i32
    %add3A_176 = arith.constant 14 : i32
    %add3A_177 = arith.addi %mul3A_175, %add3A_176 : i32
    %swap3A_178 = arith.index_cast %add3A_177 : i32 to index
    %swap3A_179 = memref.load %arg3[%swap3A_178] : memref<192xf32, #tpu.memory_space<smem>>
    memref.store %reduce_max3A_173, %arg3[%swap3A_178] : memref<192xf32, #tpu.memory_space<smem>>
    %slice3A_180 = vector.extract_strided_slice %mul3A {offsets = [1920, 0], sizes = [128, 128], strides = [1, 1]} : vector<8192x128xf32> to vector<128x128xf32>
    %reduce_max3A_181 = vector.shape_cast %slice3A_180 : vector<128x128xf32> to vector<1x128x128xf32>
    %reduce_max3A_182 = arith.constant dense<0xFF800000> : vector<1xf32>
    %reduce_max3A_183 = vector.multi_reduction <maximumf>, %reduce_max3A_181, %reduce_max3A_182 [1, 2] : vector<1x128x128xf32> to vector<1xf32>
    %reduce_max3A_184 = vector.shape_cast %reduce_max3A_183 : vector<1xf32> to vector<1x1x1xf32>
    %reduce_max3A_185 = vector.extract %reduce_max3A_184[0, 0, 0] : f32 from vector<1x1x1xf32>
    %mul3A_186 = arith.constant 64 : i32
    %mul3A_187 = arith.muli %arg0, %mul3A_186 : i32
    %add3A_188 = arith.constant 15 : i32
    %add3A_189 = arith.addi %mul3A_187, %add3A_188 : i32
    %swap3A_190 = arith.index_cast %add3A_189 : i32 to index
    %swap3A_191 = memref.load %arg3[%swap3A_190] : memref<192xf32, #tpu.memory_space<smem>>
    memref.store %reduce_max3A_185, %arg3[%swap3A_190] : memref<192xf32, #tpu.memory_space<smem>>
    %slice3A_192 = vector.extract_strided_slice %mul3A {offsets = [2048, 0], sizes = [128, 128], strides = [1, 1]} : vector<8192x128xf32> to vector<128x128xf32>
    %reduce_max3A_193 = vector.shape_cast %slice3A_192 : vector<128x128xf32> to vector<1x128x128xf32>
    %reduce_max3A_194 = arith.constant dense<0xFF800000> : vector<1xf32>
    %reduce_max3A_195 = vector.multi_reduction <maximumf>, %reduce_max3A_193, %reduce_max3A_194 [1, 2] : vector<1x128x128xf32> to vector<1xf32>
    %reduce_max3A_196 = vector.shape_cast %reduce_max3A_195 : vector<1xf32> to vector<1x1x1xf32>
    %reduce_max3A_197 = vector.extract %reduce_max3A_196[0, 0, 0] : f32 from vector<1x1x1xf32>
    %mul3A_198 = arith.constant 64 : i32
    %mul3A_199 = arith.muli %arg0, %mul3A_198 : i32
    %add3A_200 = arith.constant 16 : i32
    %add3A_201 = arith.addi %mul3A_199, %add3A_200 : i32
    %swap3A_202 = arith.index_cast %add3A_201 : i32 to index
    %swap3A_203 = memref.load %arg3[%swap3A_202] : memref<192xf32, #tpu.memory_space<smem>>
    memref.store %reduce_max3A_197, %arg3[%swap3A_202] : memref<192xf32, #tpu.memory_space<smem>>
    %slice3A_204 = vector.extract_strided_slice %mul3A {offsets = [2176, 0], sizes = [128, 128], strides = [1, 1]} : vector<8192x128xf32> to vector<128x128xf32>
    %reduce_max3A_205 = vector.shape_cast %slice3A_204 : vector<128x128xf32> to vector<1x128x128xf32>
    %reduce_max3A_206 = arith.constant dense<0xFF800000> : vector<1xf32>
    %reduce_max3A_207 = vector.multi_reduction <maximumf>, %reduce_max3A_205, %reduce_max3A_206 [1, 2] : vector<1x128x128xf32> to vector<1xf32>
    %reduce_max3A_208 = vector.shape_cast %reduce_max3A_207 : vector<1xf32> to vector<1x1x1xf32>
    %reduce_max3A_209 = vector.extract %reduce_max3A_208[0, 0, 0] : f32 from vector<1x1x1xf32>
    %mul3A_210 = arith.constant 64 : i32
    %mul3A_211 = arith.muli %arg0, %mul3A_210 : i32
    %add3A_212 = arith.constant 17 : i32
    %add3A_213 = arith.addi %mul3A_211, %add3A_212 : i32
    %swap3A_214 = arith.index_cast %add3A_213 : i32 to index
    %swap3A_215 = memref.load %arg3[%swap3A_214] : memref<192xf32, #tpu.memory_space<smem>>
    memref.store %reduce_max3A_209, %arg3[%swap3A_214] : memref<192xf32, #tpu.memory_space<smem>>
    %slice3A_216 = vector.extract_strided_slice %mul3A {offsets = [2304, 0], sizes = [128, 128], strides = [1, 1]} : vector<8192x128xf32> to vector<128x128xf32>
    %reduce_max3A_217 = vector.shape_cast %slice3A_216 : vector<128x128xf32> to vector<1x128x128xf32>
    %reduce_max3A_218 = arith.constant dense<0xFF800000> : vector<1xf32>
    %reduce_max3A_219 = vector.multi_reduction <maximumf>, %reduce_max3A_217, %reduce_max3A_218 [1, 2] : vector<1x128x128xf32> to vector<1xf32>
    %reduce_max3A_220 = vector.shape_cast %reduce_max3A_219 : vector<1xf32> to vector<1x1x1xf32>
    %reduce_max3A_221 = vector.extract %reduce_max3A_220[0, 0, 0] : f32 from vector<1x1x1xf32>
    %mul3A_222 = arith.constant 64 : i32
    %mul3A_223 = arith.muli %arg0, %mul3A_222 : i32
    %add3A_224 = arith.constant 18 : i32
    %add3A_225 = arith.addi %mul3A_223, %add3A_224 : i32
    %swap3A_226 = arith.index_cast %add3A_225 : i32 to index
    %swap3A_227 = memref.load %arg3[%swap3A_226] : memref<192xf32, #tpu.memory_space<smem>>
    memref.store %reduce_max3A_221, %arg3[%swap3A_226] : memref<192xf32, #tpu.memory_space<smem>>
    %slice3A_228 = vector.extract_strided_slice %mul3A {offsets = [2432, 0], sizes = [128, 128], strides = [1, 1]} : vector<8192x128xf32> to vector<128x128xf32>
    %reduce_max3A_229 = vector.shape_cast %slice3A_228 : vector<128x128xf32> to vector<1x128x128xf32>
    %reduce_max3A_230 = arith.constant dense<0xFF800000> : vector<1xf32>
    %reduce_max3A_231 = vector.multi_reduction <maximumf>, %reduce_max3A_229, %reduce_max3A_230 [1, 2] : vector<1x128x128xf32> to vector<1xf32>
    %reduce_max3A_232 = vector.shape_cast %reduce_max3A_231 : vector<1xf32> to vector<1x1x1xf32>
    %reduce_max3A_233 = vector.extract %reduce_max3A_232[0, 0, 0] : f32 from vector<1x1x1xf32>
    %mul3A_234 = arith.constant 64 : i32
    %mul3A_235 = arith.muli %arg0, %mul3A_234 : i32
    %add3A_236 = arith.constant 19 : i32
    %add3A_237 = arith.addi %mul3A_235, %add3A_236 : i32
    %swap3A_238 = arith.index_cast %add3A_237 : i32 to index
    %swap3A_239 = memref.load %arg3[%swap3A_238] : memref<192xf32, #tpu.memory_space<smem>>
    memref.store %reduce_max3A_233, %arg3[%swap3A_238] : memref<192xf32, #tpu.memory_space<smem>>
    %slice3A_240 = vector.extract_strided_slice %mul3A {offsets = [2560, 0], sizes = [128, 128], strides = [1, 1]} : vector<8192x128xf32> to vector<128x128xf32>
    %reduce_max3A_241 = vector.shape_cast %slice3A_240 : vector<128x128xf32> to vector<1x128x128xf32>
    %reduce_max3A_242 = arith.constant dense<0xFF800000> : vector<1xf32>
    %reduce_max3A_243 = vector.multi_reduction <maximumf>, %reduce_max3A_241, %reduce_max3A_242 [1, 2] : vector<1x128x128xf32> to vector<1xf32>
    %reduce_max3A_244 = vector.shape_cast %reduce_max3A_243 : vector<1xf32> to vector<1x1x1xf32>
    %reduce_max3A_245 = vector.extract %reduce_max3A_244[0, 0, 0] : f32 from vector<1x1x1xf32>
    %mul3A_246 = arith.constant 64 : i32
    %mul3A_247 = arith.muli %arg0, %mul3A_246 : i32
    %add3A_248 = arith.constant 20 : i32
    %add3A_249 = arith.addi %mul3A_247, %add3A_248 : i32
    %swap3A_250 = arith.index_cast %add3A_249 : i32 to index
    %swap3A_251 = memref.load %arg3[%swap3A_250] : memref<192xf32, #tpu.memory_space<smem>>
    memref.store %reduce_max3A_245, %arg3[%swap3A_250] : memref<192xf32, #tpu.memory_space<smem>>
    %slice3A_252 = vector.extract_strided_slice %mul3A {offsets = [2688, 0], sizes = [128, 128], strides = [1, 1]} : vector<8192x128xf32> to vector<128x128xf32>
    %reduce_max3A_253 = vector.shape_cast %slice3A_252 : vector<128x128xf32> to vector<1x128x128xf32>
    %reduce_max3A_254 = arith.constant dense<0xFF800000> : vector<1xf32>
    %reduce_max3A_255 = vector.multi_reduction <maximumf>, %reduce_max3A_253, %reduce_max3A_254 [1, 2] : vector<1x128x128xf32> to vector<1xf32>
    %reduce_max3A_256 = vector.shape_cast %reduce_max3A_255 : vector<1xf32> to vector<1x1x1xf32>
    %reduce_max3A_257 = vector.extract %reduce_max3A_256[0, 0, 0] : f32 from vector<1x1x1xf32>
    %mul3A_258 = arith.constant 64 : i32
    %mul3A_259 = arith.muli %arg0, %mul3A_258 : i32
    %add3A_260 = arith.constant 21 : i32
    %add3A_261 = arith.addi %mul3A_259, %add3A_260 : i32
    %swap3A_262 = arith.index_cast %add3A_261 : i32 to index
    %swap3A_263 = memref.load %arg3[%swap3A_262] : memref<192xf32, #tpu.memory_space<smem>>
    memref.store %reduce_max3A_257, %arg3[%swap3A_262] : memref<192xf32, #tpu.memory_space<smem>>
    %slice3A_264 = vector.extract_strided_slice %mul3A {offsets = [2816, 0], sizes = [128, 128], strides = [1, 1]} : vector<8192x128xf32> to vector<128x128xf32>
    %reduce_max3A_265 = vector.shape_cast %slice3A_264 : vector<128x128xf32> to vector<1x128x128xf32>
    %reduce_max3A_266 = arith.constant dense<0xFF800000> : vector<1xf32>
    %reduce_max3A_267 = vector.multi_reduction <maximumf>, %reduce_max3A_265, %reduce_max3A_266 [1, 2] : vector<1x128x128xf32> to vector<1xf32>
    %reduce_max3A_268 = vector.shape_cast %reduce_max3A_267 : vector<1xf32> to vector<1x1x1xf32>
    %reduce_max3A_269 = vector.extract %reduce_max3A_268[0, 0, 0] : f32 from vector<1x1x1xf32>
    %mul3A_270 = arith.constant 64 : i32
    %mul3A_271 = arith.muli %arg0, %mul3A_270 : i32
    %add3A_272 = arith.constant 22 : i32
    %add3A_273 = arith.addi %mul3A_271, %add3A_272 : i32
    %swap3A_274 = arith.index_cast %add3A_273 : i32 to index
    %swap3A_275 = memref.load %arg3[%swap3A_274] : memref<192xf32, #tpu.memory_space<smem>>
    memref.store %reduce_max3A_269, %arg3[%swap3A_274] : memref<192xf32, #tpu.memory_space<smem>>
    %slice3A_276 = vector.extract_strided_slice %mul3A {offsets = [2944, 0], sizes = [128, 128], strides = [1, 1]} : vector<8192x128xf32> to vector<128x128xf32>
    %reduce_max3A_277 = vector.shape_cast %slice3A_276 : vector<128x128xf32> to vector<1x128x128xf32>
    %reduce_max3A_278 = arith.constant dense<0xFF800000> : vector<1xf32>
    %reduce_max3A_279 = vector.multi_reduction <maximumf>, %reduce_max3A_277, %reduce_max3A_278 [1, 2] : vector<1x128x128xf32> to vector<1xf32>
    %reduce_max3A_280 = vector.shape_cast %reduce_max3A_279 : vector<1xf32> to vector<1x1x1xf32>
    %reduce_max3A_281 = vector.extract %reduce_max3A_280[0, 0, 0] : f32 from vector<1x1x1xf32>
    %mul3A_282 = arith.constant 64 : i32
    %mul3A_283 = arith.muli %arg0, %mul3A_282 : i32
    %add3A_284 = arith.constant 23 : i32
    %add3A_285 = arith.addi %mul3A_283, %add3A_284 : i32
    %swap3A_286 = arith.index_cast %add3A_285 : i32 to index
    %swap3A_287 = memref.load %arg3[%swap3A_286] : memref<192xf32, #tpu.memory_space<smem>>
    memref.store %reduce_max3A_281, %arg3[%swap3A_286] : memref<192xf32, #tpu.memory_space<smem>>
    %slice3A_288 = vector.extract_strided_slice %mul3A {offsets = [3072, 0], sizes = [128, 128], strides = [1, 1]} : vector<8192x128xf32> to vector<128x128xf32>
    %reduce_max3A_289 = vector.shape_cast %slice3A_288 : vector<128x128xf32> to vector<1x128x128xf32>
    %reduce_max3A_290 = arith.constant dense<0xFF800000> : vector<1xf32>
    %reduce_max3A_291 = vector.multi_reduction <maximumf>, %reduce_max3A_289, %reduce_max3A_290 [1, 2] : vector<1x128x128xf32> to vector<1xf32>
    %reduce_max3A_292 = vector.shape_cast %reduce_max3A_291 : vector<1xf32> to vector<1x1x1xf32>
    %reduce_max3A_293 = vector.extract %reduce_max3A_292[0, 0, 0] : f32 from vector<1x1x1xf32>
    %mul3A_294 = arith.constant 64 : i32
    %mul3A_295 = arith.muli %arg0, %mul3A_294 : i32
    %add3A_296 = arith.constant 24 : i32
    %add3A_297 = arith.addi %mul3A_295, %add3A_296 : i32
    %swap3A_298 = arith.index_cast %add3A_297 : i32 to index
    %swap3A_299 = memref.load %arg3[%swap3A_298] : memref<192xf32, #tpu.memory_space<smem>>
    memref.store %reduce_max3A_293, %arg3[%swap3A_298] : memref<192xf32, #tpu.memory_space<smem>>
    %slice3A_300 = vector.extract_strided_slice %mul3A {offsets = [3200, 0], sizes = [128, 128], strides = [1, 1]} : vector<8192x128xf32> to vector<128x128xf32>
    %reduce_max3A_301 = vector.shape_cast %slice3A_300 : vector<128x128xf32> to vector<1x128x128xf32>
    %reduce_max3A_302 = arith.constant dense<0xFF800000> : vector<1xf32>
    %reduce_max3A_303 = vector.multi_reduction <maximumf>, %reduce_max3A_301, %reduce_max3A_302 [1, 2] : vector<1x128x128xf32> to vector<1xf32>
    %reduce_max3A_304 = vector.shape_cast %reduce_max3A_303 : vector<1xf32> to vector<1x1x1xf32>
    %reduce_max3A_305 = vector.extract %reduce_max3A_304[0, 0, 0] : f32 from vector<1x1x1xf32>
    %mul3A_306 = arith.constant 64 : i32
    %mul3A_307 = arith.muli %arg0, %mul3A_306 : i32
    %add3A_308 = arith.constant 25 : i32
    %add3A_309 = arith.addi %mul3A_307, %add3A_308 : i32
    %swap3A_310 = arith.index_cast %add3A_309 : i32 to index
    %swap3A_311 = memref.load %arg3[%swap3A_310] : memref<192xf32, #tpu.memory_space<smem>>
    memref.store %reduce_max3A_305, %arg3[%swap3A_310] : memref<192xf32, #tpu.memory_space<smem>>
    %slice3A_312 = vector.extract_strided_slice %mul3A {offsets = [3328, 0], sizes = [128, 128], strides = [1, 1]} : vector<8192x128xf32> to vector<128x128xf32>
    %reduce_max3A_313 = vector.shape_cast %slice3A_312 : vector<128x128xf32> to vector<1x128x128xf32>
    %reduce_max3A_314 = arith.constant dense<0xFF800000> : vector<1xf32>
    %reduce_max3A_315 = vector.multi_reduction <maximumf>, %reduce_max3A_313, %reduce_max3A_314 [1, 2] : vector<1x128x128xf32> to vector<1xf32>
    %reduce_max3A_316 = vector.shape_cast %reduce_max3A_315 : vector<1xf32> to vector<1x1x1xf32>
    %reduce_max3A_317 = vector.extract %reduce_max3A_316[0, 0, 0] : f32 from vector<1x1x1xf32>
    %mul3A_318 = arith.constant 64 : i32
    %mul3A_319 = arith.muli %arg0, %mul3A_318 : i32
    %add3A_320 = arith.constant 26 : i32
    %add3A_321 = arith.addi %mul3A_319, %add3A_320 : i32
    %swap3A_322 = arith.index_cast %add3A_321 : i32 to index
    %swap3A_323 = memref.load %arg3[%swap3A_322] : memref<192xf32, #tpu.memory_space<smem>>
    memref.store %reduce_max3A_317, %arg3[%swap3A_322] : memref<192xf32, #tpu.memory_space<smem>>
    %slice3A_324 = vector.extract_strided_slice %mul3A {offsets = [3456, 0], sizes = [128, 128], strides = [1, 1]} : vector<8192x128xf32> to vector<128x128xf32>
    %reduce_max3A_325 = vector.shape_cast %slice3A_324 : vector<128x128xf32> to vector<1x128x128xf32>
    %reduce_max3A_326 = arith.constant dense<0xFF800000> : vector<1xf32>
    %reduce_max3A_327 = vector.multi_reduction <maximumf>, %reduce_max3A_325, %reduce_max3A_326 [1, 2] : vector<1x128x128xf32> to vector<1xf32>
    %reduce_max3A_328 = vector.shape_cast %reduce_max3A_327 : vector<1xf32> to vector<1x1x1xf32>
    %reduce_max3A_329 = vector.extract %reduce_max3A_328[0, 0, 0] : f32 from vector<1x1x1xf32>
    %mul3A_330 = arith.constant 64 : i32
    %mul3A_331 = arith.muli %arg0, %mul3A_330 : i32
    %add3A_332 = arith.constant 27 : i32
    %add3A_333 = arith.addi %mul3A_331, %add3A_332 : i32
    %swap3A_334 = arith.index_cast %add3A_333 : i32 to index
    %swap3A_335 = memref.load %arg3[%swap3A_334] : memref<192xf32, #tpu.memory_space<smem>>
    memref.store %reduce_max3A_329, %arg3[%swap3A_334] : memref<192xf32, #tpu.memory_space<smem>>
    %slice3A_336 = vector.extract_strided_slice %mul3A {offsets = [3584, 0], sizes = [128, 128], strides = [1, 1]} : vector<8192x128xf32> to vector<128x128xf32>
    %reduce_max3A_337 = vector.shape_cast %slice3A_336 : vector<128x128xf32> to vector<1x128x128xf32>
    %reduce_max3A_338 = arith.constant dense<0xFF800000> : vector<1xf32>
    %reduce_max3A_339 = vector.multi_reduction <maximumf>, %reduce_max3A_337, %reduce_max3A_338 [1, 2] : vector<1x128x128xf32> to vector<1xf32>
    %reduce_max3A_340 = vector.shape_cast %reduce_max3A_339 : vector<1xf32> to vector<1x1x1xf32>
    %reduce_max3A_341 = vector.extract %reduce_max3A_340[0, 0, 0] : f32 from vector<1x1x1xf32>
    %mul3A_342 = arith.constant 64 : i32
    %mul3A_343 = arith.muli %arg0, %mul3A_342 : i32
    %add3A_344 = arith.constant 28 : i32
    %add3A_345 = arith.addi %mul3A_343, %add3A_344 : i32
    %swap3A_346 = arith.index_cast %add3A_345 : i32 to index
    %swap3A_347 = memref.load %arg3[%swap3A_346] : memref<192xf32, #tpu.memory_space<smem>>
    memref.store %reduce_max3A_341, %arg3[%swap3A_346] : memref<192xf32, #tpu.memory_space<smem>>
    %slice3A_348 = vector.extract_strided_slice %mul3A {offsets = [3712, 0], sizes = [128, 128], strides = [1, 1]} : vector<8192x128xf32> to vector<128x128xf32>
    %reduce_max3A_349 = vector.shape_cast %slice3A_348 : vector<128x128xf32> to vector<1x128x128xf32>
    %reduce_max3A_350 = arith.constant dense<0xFF800000> : vector<1xf32>
    %reduce_max3A_351 = vector.multi_reduction <maximumf>, %reduce_max3A_349, %reduce_max3A_350 [1, 2] : vector<1x128x128xf32> to vector<1xf32>
    %reduce_max3A_352 = vector.shape_cast %reduce_max3A_351 : vector<1xf32> to vector<1x1x1xf32>
    %reduce_max3A_353 = vector.extract %reduce_max3A_352[0, 0, 0] : f32 from vector<1x1x1xf32>
    %mul3A_354 = arith.constant 64 : i32
    %mul3A_355 = arith.muli %arg0, %mul3A_354 : i32
    %add3A_356 = arith.constant 29 : i32
    %add3A_357 = arith.addi %mul3A_355, %add3A_356 : i32
    %swap3A_358 = arith.index_cast %add3A_357 : i32 to index
    %swap3A_359 = memref.load %arg3[%swap3A_358] : memref<192xf32, #tpu.memory_space<smem>>
    memref.store %reduce_max3A_353, %arg3[%swap3A_358] : memref<192xf32, #tpu.memory_space<smem>>
    %slice3A_360 = vector.extract_strided_slice %mul3A {offsets = [3840, 0], sizes = [128, 128], strides = [1, 1]} : vector<8192x128xf32> to vector<128x128xf32>
    %reduce_max3A_361 = vector.shape_cast %slice3A_360 : vector<128x128xf32> to vector<1x128x128xf32>
    %reduce_max3A_362 = arith.constant dense<0xFF800000> : vector<1xf32>
    %reduce_max3A_363 = vector.multi_reduction <maximumf>, %reduce_max3A_361, %reduce_max3A_362 [1, 2] : vector<1x128x128xf32> to vector<1xf32>
    %reduce_max3A_364 = vector.shape_cast %reduce_max3A_363 : vector<1xf32> to vector<1x1x1xf32>
    %reduce_max3A_365 = vector.extract %reduce_max3A_364[0, 0, 0] : f32 from vector<1x1x1xf32>
    %mul3A_366 = arith.constant 64 : i32
    %mul3A_367 = arith.muli %arg0, %mul3A_366 : i32
    %add3A_368 = arith.constant 30 : i32
    %add3A_369 = arith.addi %mul3A_367, %add3A_368 : i32
    %swap3A_370 = arith.index_cast %add3A_369 : i32 to index
    %swap3A_371 = memref.load %arg3[%swap3A_370] : memref<192xf32, #tpu.memory_space<smem>>
    memref.store %reduce_max3A_365, %arg3[%swap3A_370] : memref<192xf32, #tpu.memory_space<smem>>
    %slice3A_372 = vector.extract_strided_slice %mul3A {offsets = [3968, 0], sizes = [128, 128], strides = [1, 1]} : vector<8192x128xf32> to vector<128x128xf32>
    %reduce_max3A_373 = vector.shape_cast %slice3A_372 : vector<128x128xf32> to vector<1x128x128xf32>
    %reduce_max3A_374 = arith.constant dense<0xFF800000> : vector<1xf32>
    %reduce_max3A_375 = vector.multi_reduction <maximumf>, %reduce_max3A_373, %reduce_max3A_374 [1, 2] : vector<1x128x128xf32> to vector<1xf32>
    %reduce_max3A_376 = vector.shape_cast %reduce_max3A_375 : vector<1xf32> to vector<1x1x1xf32>
    %reduce_max3A_377 = vector.extract %reduce_max3A_376[0, 0, 0] : f32 from vector<1x1x1xf32>
    %mul3A_378 = arith.constant 64 : i32
    %mul3A_379 = arith.muli %arg0, %mul3A_378 : i32
    %add3A_380 = arith.constant 31 : i32
    %add3A_381 = arith.addi %mul3A_379, %add3A_380 : i32
    %swap3A_382 = arith.index_cast %add3A_381 : i32 to index
    %swap3A_383 = memref.load %arg3[%swap3A_382] : memref<192xf32, #tpu.memory_space<smem>>
    memref.store %reduce_max3A_377, %arg3[%swap3A_382] : memref<192xf32, #tpu.memory_space<smem>>
    %slice3A_384 = vector.extract_strided_slice %mul3A {offsets = [4096, 0], sizes = [128, 128], strides = [1, 1]} : vector<8192x128xf32> to vector<128x128xf32>
    %reduce_max3A_385 = vector.shape_cast %slice3A_384 : vector<128x128xf32> to vector<1x128x128xf32>
    %reduce_max3A_386 = arith.constant dense<0xFF800000> : vector<1xf32>
    %reduce_max3A_387 = vector.multi_reduction <maximumf>, %reduce_max3A_385, %reduce_max3A_386 [1, 2] : vector<1x128x128xf32> to vector<1xf32>
    %reduce_max3A_388 = vector.shape_cast %reduce_max3A_387 : vector<1xf32> to vector<1x1x1xf32>
    %reduce_max3A_389 = vector.extract %reduce_max3A_388[0, 0, 0] : f32 from vector<1x1x1xf32>
    %mul3A_390 = arith.constant 64 : i32
    %mul3A_391 = arith.muli %arg0, %mul3A_390 : i32
    %add3A_392 = arith.constant 32 : i32
    %add3A_393 = arith.addi %mul3A_391, %add3A_392 : i32
    %swap3A_394 = arith.index_cast %add3A_393 : i32 to index
    %swap3A_395 = memref.load %arg3[%swap3A_394] : memref<192xf32, #tpu.memory_space<smem>>
    memref.store %reduce_max3A_389, %arg3[%swap3A_394] : memref<192xf32, #tpu.memory_space<smem>>
    %slice3A_396 = vector.extract_strided_slice %mul3A {offsets = [4224, 0], sizes = [128, 128], strides = [1, 1]} : vector<8192x128xf32> to vector<128x128xf32>
    %reduce_max3A_397 = vector.shape_cast %slice3A_396 : vector<128x128xf32> to vector<1x128x128xf32>
    %reduce_max3A_398 = arith.constant dense<0xFF800000> : vector<1xf32>
    %reduce_max3A_399 = vector.multi_reduction <maximumf>, %reduce_max3A_397, %reduce_max3A_398 [1, 2] : vector<1x128x128xf32> to vector<1xf32>
    %reduce_max3A_400 = vector.shape_cast %reduce_max3A_399 : vector<1xf32> to vector<1x1x1xf32>
    %reduce_max3A_401 = vector.extract %reduce_max3A_400[0, 0, 0] : f32 from vector<1x1x1xf32>
    %mul3A_402 = arith.constant 64 : i32
    %mul3A_403 = arith.muli %arg0, %mul3A_402 : i32
    %add3A_404 = arith.constant 33 : i32
    %add3A_405 = arith.addi %mul3A_403, %add3A_404 : i32
    %swap3A_406 = arith.index_cast %add3A_405 : i32 to index
    %swap3A_407 = memref.load %arg3[%swap3A_406] : memref<192xf32, #tpu.memory_space<smem>>
    memref.store %reduce_max3A_401, %arg3[%swap3A_406] : memref<192xf32, #tpu.memory_space<smem>>
    %slice3A_408 = vector.extract_strided_slice %mul3A {offsets = [4352, 0], sizes = [128, 128], strides = [1, 1]} : vector<8192x128xf32> to vector<128x128xf32>
    %reduce_max3A_409 = vector.shape_cast %slice3A_408 : vector<128x128xf32> to vector<1x128x128xf32>
    %reduce_max3A_410 = arith.constant dense<0xFF800000> : vector<1xf32>
    %reduce_max3A_411 = vector.multi_reduction <maximumf>, %reduce_max3A_409, %reduce_max3A_410 [1, 2] : vector<1x128x128xf32> to vector<1xf32>
    %reduce_max3A_412 = vector.shape_cast %reduce_max3A_411 : vector<1xf32> to vector<1x1x1xf32>
    %reduce_max3A_413 = vector.extract %reduce_max3A_412[0, 0, 0] : f32 from vector<1x1x1xf32>
    %mul3A_414 = arith.constant 64 : i32
    %mul3A_415 = arith.muli %arg0, %mul3A_414 : i32
    %add3A_416 = arith.constant 34 : i32
    %add3A_417 = arith.addi %mul3A_415, %add3A_416 : i32
    %swap3A_418 = arith.index_cast %add3A_417 : i32 to index
    %swap3A_419 = memref.load %arg3[%swap3A_418] : memref<192xf32, #tpu.memory_space<smem>>
    memref.store %reduce_max3A_413, %arg3[%swap3A_418] : memref<192xf32, #tpu.memory_space<smem>>
    %slice3A_420 = vector.extract_strided_slice %mul3A {offsets = [4480, 0], sizes = [128, 128], strides = [1, 1]} : vector<8192x128xf32> to vector<128x128xf32>
    %reduce_max3A_421 = vector.shape_cast %slice3A_420 : vector<128x128xf32> to vector<1x128x128xf32>
    %reduce_max3A_422 = arith.constant dense<0xFF800000> : vector<1xf32>
    %reduce_max3A_423 = vector.multi_reduction <maximumf>, %reduce_max3A_421, %reduce_max3A_422 [1, 2] : vector<1x128x128xf32> to vector<1xf32>
    %reduce_max3A_424 = vector.shape_cast %reduce_max3A_423 : vector<1xf32> to vector<1x1x1xf32>
    %reduce_max3A_425 = vector.extract %reduce_max3A_424[0, 0, 0] : f32 from vector<1x1x1xf32>
    %mul3A_426 = arith.constant 64 : i32
    %mul3A_427 = arith.muli %arg0, %mul3A_426 : i32
    %add3A_428 = arith.constant 35 : i32
    %add3A_429 = arith.addi %mul3A_427, %add3A_428 : i32
    %swap3A_430 = arith.index_cast %add3A_429 : i32 to index
    %swap3A_431 = memref.load %arg3[%swap3A_430] : memref<192xf32, #tpu.memory_space<smem>>
    memref.store %reduce_max3A_425, %arg3[%swap3A_430] : memref<192xf32, #tpu.memory_space<smem>>
    %slice3A_432 = vector.extract_strided_slice %mul3A {offsets = [4608, 0], sizes = [128, 128], strides = [1, 1]} : vector<8192x128xf32> to vector<128x128xf32>
    %reduce_max3A_433 = vector.shape_cast %slice3A_432 : vector<128x128xf32> to vector<1x128x128xf32>
    %reduce_max3A_434 = arith.constant dense<0xFF800000> : vector<1xf32>
    %reduce_max3A_435 = vector.multi_reduction <maximumf>, %reduce_max3A_433, %reduce_max3A_434 [1, 2] : vector<1x128x128xf32> to vector<1xf32>
    %reduce_max3A_436 = vector.shape_cast %reduce_max3A_435 : vector<1xf32> to vector<1x1x1xf32>
    %reduce_max3A_437 = vector.extract %reduce_max3A_436[0, 0, 0] : f32 from vector<1x1x1xf32>
    %mul3A_438 = arith.constant 64 : i32
    %mul3A_439 = arith.muli %arg0, %mul3A_438 : i32
    %add3A_440 = arith.constant 36 : i32
    %add3A_441 = arith.addi %mul3A_439, %add3A_440 : i32
    %swap3A_442 = arith.index_cast %add3A_441 : i32 to index
    %swap3A_443 = memref.load %arg3[%swap3A_442] : memref<192xf32, #tpu.memory_space<smem>>
    memref.store %reduce_max3A_437, %arg3[%swap3A_442] : memref<192xf32, #tpu.memory_space<smem>>
    %slice3A_444 = vector.extract_strided_slice %mul3A {offsets = [4736, 0], sizes = [128, 128], strides = [1, 1]} : vector<8192x128xf32> to vector<128x128xf32>
    %reduce_max3A_445 = vector.shape_cast %slice3A_444 : vector<128x128xf32> to vector<1x128x128xf32>
    %reduce_max3A_446 = arith.constant dense<0xFF800000> : vector<1xf32>
    %reduce_max3A_447 = vector.multi_reduction <maximumf>, %reduce_max3A_445, %reduce_max3A_446 [1, 2] : vector<1x128x128xf32> to vector<1xf32>
    %reduce_max3A_448 = vector.shape_cast %reduce_max3A_447 : vector<1xf32> to vector<1x1x1xf32>
    %reduce_max3A_449 = vector.extract %reduce_max3A_448[0, 0, 0] : f32 from vector<1x1x1xf32>
    %mul3A_450 = arith.constant 64 : i32
    %mul3A_451 = arith.muli %arg0, %mul3A_450 : i32
    %add3A_452 = arith.constant 37 : i32
    %add3A_453 = arith.addi %mul3A_451, %add3A_452 : i32
    %swap3A_454 = arith.index_cast %add3A_453 : i32 to index
    %swap3A_455 = memref.load %arg3[%swap3A_454] : memref<192xf32, #tpu.memory_space<smem>>
    memref.store %reduce_max3A_449, %arg3[%swap3A_454] : memref<192xf32, #tpu.memory_space<smem>>
    %slice3A_456 = vector.extract_strided_slice %mul3A {offsets = [4864, 0], sizes = [128, 128], strides = [1, 1]} : vector<8192x128xf32> to vector<128x128xf32>
    %reduce_max3A_457 = vector.shape_cast %slice3A_456 : vector<128x128xf32> to vector<1x128x128xf32>
    %reduce_max3A_458 = arith.constant dense<0xFF800000> : vector<1xf32>
    %reduce_max3A_459 = vector.multi_reduction <maximumf>, %reduce_max3A_457, %reduce_max3A_458 [1, 2] : vector<1x128x128xf32> to vector<1xf32>
    %reduce_max3A_460 = vector.shape_cast %reduce_max3A_459 : vector<1xf32> to vector<1x1x1xf32>
    %reduce_max3A_461 = vector.extract %reduce_max3A_460[0, 0, 0] : f32 from vector<1x1x1xf32>
    %mul3A_462 = arith.constant 64 : i32
    %mul3A_463 = arith.muli %arg0, %mul3A_462 : i32
    %add3A_464 = arith.constant 38 : i32
    %add3A_465 = arith.addi %mul3A_463, %add3A_464 : i32
    %swap3A_466 = arith.index_cast %add3A_465 : i32 to index
    %swap3A_467 = memref.load %arg3[%swap3A_466] : memref<192xf32, #tpu.memory_space<smem>>
    memref.store %reduce_max3A_461, %arg3[%swap3A_466] : memref<192xf32, #tpu.memory_space<smem>>
    %slice3A_468 = vector.extract_strided_slice %mul3A {offsets = [4992, 0], sizes = [128, 128], strides = [1, 1]} : vector<8192x128xf32> to vector<128x128xf32>
    %reduce_max3A_469 = vector.shape_cast %slice3A_468 : vector<128x128xf32> to vector<1x128x128xf32>
    %reduce_max3A_470 = arith.constant dense<0xFF800000> : vector<1xf32>
    %reduce_max3A_471 = vector.multi_reduction <maximumf>, %reduce_max3A_469, %reduce_max3A_470 [1, 2] : vector<1x128x128xf32> to vector<1xf32>
    %reduce_max3A_472 = vector.shape_cast %reduce_max3A_471 : vector<1xf32> to vector<1x1x1xf32>
    %reduce_max3A_473 = vector.extract %reduce_max3A_472[0, 0, 0] : f32 from vector<1x1x1xf32>
    %mul3A_474 = arith.constant 64 : i32
    %mul3A_475 = arith.muli %arg0, %mul3A_474 : i32
    %add3A_476 = arith.constant 39 : i32
    %add3A_477 = arith.addi %mul3A_475, %add3A_476 : i32
    %swap3A_478 = arith.index_cast %add3A_477 : i32 to index
    %swap3A_479 = memref.load %arg3[%swap3A_478] : memref<192xf32, #tpu.memory_space<smem>>
    memref.store %reduce_max3A_473, %arg3[%swap3A_478] : memref<192xf32, #tpu.memory_space<smem>>
    %slice3A_480 = vector.extract_strided_slice %mul3A {offsets = [5120, 0], sizes = [128, 128], strides = [1, 1]} : vector<8192x128xf32> to vector<128x128xf32>
    %reduce_max3A_481 = vector.shape_cast %slice3A_480 : vector<128x128xf32> to vector<1x128x128xf32>
    %reduce_max3A_482 = arith.constant dense<0xFF800000> : vector<1xf32>
    %reduce_max3A_483 = vector.multi_reduction <maximumf>, %reduce_max3A_481, %reduce_max3A_482 [1, 2] : vector<1x128x128xf32> to vector<1xf32>
    %reduce_max3A_484 = vector.shape_cast %reduce_max3A_483 : vector<1xf32> to vector<1x1x1xf32>
    %reduce_max3A_485 = vector.extract %reduce_max3A_484[0, 0, 0] : f32 from vector<1x1x1xf32>
    %mul3A_486 = arith.constant 64 : i32
    %mul3A_487 = arith.muli %arg0, %mul3A_486 : i32
    %add3A_488 = arith.constant 40 : i32
    %add3A_489 = arith.addi %mul3A_487, %add3A_488 : i32
    %swap3A_490 = arith.index_cast %add3A_489 : i32 to index
    %swap3A_491 = memref.load %arg3[%swap3A_490] : memref<192xf32, #tpu.memory_space<smem>>
    memref.store %reduce_max3A_485, %arg3[%swap3A_490] : memref<192xf32, #tpu.memory_space<smem>>
    %slice3A_492 = vector.extract_strided_slice %mul3A {offsets = [5248, 0], sizes = [128, 128], strides = [1, 1]} : vector<8192x128xf32> to vector<128x128xf32>
    %reduce_max3A_493 = vector.shape_cast %slice3A_492 : vector<128x128xf32> to vector<1x128x128xf32>
    %reduce_max3A_494 = arith.constant dense<0xFF800000> : vector<1xf32>
    %reduce_max3A_495 = vector.multi_reduction <maximumf>, %reduce_max3A_493, %reduce_max3A_494 [1, 2] : vector<1x128x128xf32> to vector<1xf32>
    %reduce_max3A_496 = vector.shape_cast %reduce_max3A_495 : vector<1xf32> to vector<1x1x1xf32>
    %reduce_max3A_497 = vector.extract %reduce_max3A_496[0, 0, 0] : f32 from vector<1x1x1xf32>
    %mul3A_498 = arith.constant 64 : i32
    %mul3A_499 = arith.muli %arg0, %mul3A_498 : i32
    %add3A_500 = arith.constant 41 : i32
    %add3A_501 = arith.addi %mul3A_499, %add3A_500 : i32
    %swap3A_502 = arith.index_cast %add3A_501 : i32 to index
    %swap3A_503 = memref.load %arg3[%swap3A_502] : memref<192xf32, #tpu.memory_space<smem>>
    memref.store %reduce_max3A_497, %arg3[%swap3A_502] : memref<192xf32, #tpu.memory_space<smem>>
    %slice3A_504 = vector.extract_strided_slice %mul3A {offsets = [5376, 0], sizes = [128, 128], strides = [1, 1]} : vector<8192x128xf32> to vector<128x128xf32>
    %reduce_max3A_505 = vector.shape_cast %slice3A_504 : vector<128x128xf32> to vector<1x128x128xf32>
    %reduce_max3A_506 = arith.constant dense<0xFF800000> : vector<1xf32>
    %reduce_max3A_507 = vector.multi_reduction <maximumf>, %reduce_max3A_505, %reduce_max3A_506 [1, 2] : vector<1x128x128xf32> to vector<1xf32>
    %reduce_max3A_508 = vector.shape_cast %reduce_max3A_507 : vector<1xf32> to vector<1x1x1xf32>
    %reduce_max3A_509 = vector.extract %reduce_max3A_508[0, 0, 0] : f32 from vector<1x1x1xf32>
    %mul3A_510 = arith.constant 64 : i32
    %mul3A_511 = arith.muli %arg0, %mul3A_510 : i32
    %add3A_512 = arith.constant 42 : i32
    %add3A_513 = arith.addi %mul3A_511, %add3A_512 : i32
    %swap3A_514 = arith.index_cast %add3A_513 : i32 to index
    %swap3A_515 = memref.load %arg3[%swap3A_514] : memref<192xf32, #tpu.memory_space<smem>>
    memref.store %reduce_max3A_509, %arg3[%swap3A_514] : memref<192xf32, #tpu.memory_space<smem>>
    %slice3A_516 = vector.extract_strided_slice %mul3A {offsets = [5504, 0], sizes = [128, 128], strides = [1, 1]} : vector<8192x128xf32> to vector<128x128xf32>
    %reduce_max3A_517 = vector.shape_cast %slice3A_516 : vector<128x128xf32> to vector<1x128x128xf32>
    %reduce_max3A_518 = arith.constant dense<0xFF800000> : vector<1xf32>
    %reduce_max3A_519 = vector.multi_reduction <maximumf>, %reduce_max3A_517, %reduce_max3A_518 [1, 2] : vector<1x128x128xf32> to vector<1xf32>
    %reduce_max3A_520 = vector.shape_cast %reduce_max3A_519 : vector<1xf32> to vector<1x1x1xf32>
    %reduce_max3A_521 = vector.extract %reduce_max3A_520[0, 0, 0] : f32 from vector<1x1x1xf32>
    %mul3A_522 = arith.constant 64 : i32
    %mul3A_523 = arith.muli %arg0, %mul3A_522 : i32
    %add3A_524 = arith.constant 43 : i32
    %add3A_525 = arith.addi %mul3A_523, %add3A_524 : i32
    %swap3A_526 = arith.index_cast %add3A_525 : i32 to index
    %swap3A_527 = memref.load %arg3[%swap3A_526] : memref<192xf32, #tpu.memory_space<smem>>
    memref.store %reduce_max3A_521, %arg3[%swap3A_526] : memref<192xf32, #tpu.memory_space<smem>>
    %slice3A_528 = vector.extract_strided_slice %mul3A {offsets = [5632, 0], sizes = [128, 128], strides = [1, 1]} : vector<8192x128xf32> to vector<128x128xf32>
    %reduce_max3A_529 = vector.shape_cast %slice3A_528 : vector<128x128xf32> to vector<1x128x128xf32>
    %reduce_max3A_530 = arith.constant dense<0xFF800000> : vector<1xf32>
    %reduce_max3A_531 = vector.multi_reduction <maximumf>, %reduce_max3A_529, %reduce_max3A_530 [1, 2] : vector<1x128x128xf32> to vector<1xf32>
    %reduce_max3A_532 = vector.shape_cast %reduce_max3A_531 : vector<1xf32> to vector<1x1x1xf32>
    %reduce_max3A_533 = vector.extract %reduce_max3A_532[0, 0, 0] : f32 from vector<1x1x1xf32>
    %mul3A_534 = arith.constant 64 : i32
    %mul3A_535 = arith.muli %arg0, %mul3A_534 : i32
    %add3A_536 = arith.constant 44 : i32
    %add3A_537 = arith.addi %mul3A_535, %add3A_536 : i32
    %swap3A_538 = arith.index_cast %add3A_537 : i32 to index
    %swap3A_539 = memref.load %arg3[%swap3A_538] : memref<192xf32, #tpu.memory_space<smem>>
    memref.store %reduce_max3A_533, %arg3[%swap3A_538] : memref<192xf32, #tpu.memory_space<smem>>
    %slice3A_540 = vector.extract_strided_slice %mul3A {offsets = [5760, 0], sizes = [128, 128], strides = [1, 1]} : vector<8192x128xf32> to vector<128x128xf32>
    %reduce_max3A_541 = vector.shape_cast %slice3A_540 : vector<128x128xf32> to vector<1x128x128xf32>
    %reduce_max3A_542 = arith.constant dense<0xFF800000> : vector<1xf32>
    %reduce_max3A_543 = vector.multi_reduction <maximumf>, %reduce_max3A_541, %reduce_max3A_542 [1, 2] : vector<1x128x128xf32> to vector<1xf32>
    %reduce_max3A_544 = vector.shape_cast %reduce_max3A_543 : vector<1xf32> to vector<1x1x1xf32>
    %reduce_max3A_545 = vector.extract %reduce_max3A_544[0, 0, 0] : f32 from vector<1x1x1xf32>
    %mul3A_546 = arith.constant 64 : i32
    %mul3A_547 = arith.muli %arg0, %mul3A_546 : i32
    %add3A_548 = arith.constant 45 : i32
    %add3A_549 = arith.addi %mul3A_547, %add3A_548 : i32
    %swap3A_550 = arith.index_cast %add3A_549 : i32 to index
    %swap3A_551 = memref.load %arg3[%swap3A_550] : memref<192xf32, #tpu.memory_space<smem>>
    memref.store %reduce_max3A_545, %arg3[%swap3A_550] : memref<192xf32, #tpu.memory_space<smem>>
    %slice3A_552 = vector.extract_strided_slice %mul3A {offsets = [5888, 0], sizes = [128, 128], strides = [1, 1]} : vector<8192x128xf32> to vector<128x128xf32>
    %reduce_max3A_553 = vector.shape_cast %slice3A_552 : vector<128x128xf32> to vector<1x128x128xf32>
    %reduce_max3A_554 = arith.constant dense<0xFF800000> : vector<1xf32>
    %reduce_max3A_555 = vector.multi_reduction <maximumf>, %reduce_max3A_553, %reduce_max3A_554 [1, 2] : vector<1x128x128xf32> to vector<1xf32>
    %reduce_max3A_556 = vector.shape_cast %reduce_max3A_555 : vector<1xf32> to vector<1x1x1xf32>
    %reduce_max3A_557 = vector.extract %reduce_max3A_556[0, 0, 0] : f32 from vector<1x1x1xf32>
    %mul3A_558 = arith.constant 64 : i32
    %mul3A_559 = arith.muli %arg0, %mul3A_558 : i32
    %add3A_560 = arith.constant 46 : i32
    %add3A_561 = arith.addi %mul3A_559, %add3A_560 : i32
    %swap3A_562 = arith.index_cast %add3A_561 : i32 to index
    %swap3A_563 = memref.load %arg3[%swap3A_562] : memref<192xf32, #tpu.memory_space<smem>>
    memref.store %reduce_max3A_557, %arg3[%swap3A_562] : memref<192xf32, #tpu.memory_space<smem>>
    %slice3A_564 = vector.extract_strided_slice %mul3A {offsets = [6016, 0], sizes = [128, 128], strides = [1, 1]} : vector<8192x128xf32> to vector<128x128xf32>
    %reduce_max3A_565 = vector.shape_cast %slice3A_564 : vector<128x128xf32> to vector<1x128x128xf32>
    %reduce_max3A_566 = arith.constant dense<0xFF800000> : vector<1xf32>
    %reduce_max3A_567 = vector.multi_reduction <maximumf>, %reduce_max3A_565, %reduce_max3A_566 [1, 2] : vector<1x128x128xf32> to vector<1xf32>
    %reduce_max3A_568 = vector.shape_cast %reduce_max3A_567 : vector<1xf32> to vector<1x1x1xf32>
    %reduce_max3A_569 = vector.extract %reduce_max3A_568[0, 0, 0] : f32 from vector<1x1x1xf32>
    %mul3A_570 = arith.constant 64 : i32
    %mul3A_571 = arith.muli %arg0, %mul3A_570 : i32
    %add3A_572 = arith.constant 47 : i32
    %add3A_573 = arith.addi %mul3A_571, %add3A_572 : i32
    %swap3A_574 = arith.index_cast %add3A_573 : i32 to index
    %swap3A_575 = memref.load %arg3[%swap3A_574] : memref<192xf32, #tpu.memory_space<smem>>
    memref.store %reduce_max3A_569, %arg3[%swap3A_574] : memref<192xf32, #tpu.memory_space<smem>>
    %slice3A_576 = vector.extract_strided_slice %mul3A {offsets = [6144, 0], sizes = [128, 128], strides = [1, 1]} : vector<8192x128xf32> to vector<128x128xf32>
    %reduce_max3A_577 = vector.shape_cast %slice3A_576 : vector<128x128xf32> to vector<1x128x128xf32>
    %reduce_max3A_578 = arith.constant dense<0xFF800000> : vector<1xf32>
    %reduce_max3A_579 = vector.multi_reduction <maximumf>, %reduce_max3A_577, %reduce_max3A_578 [1, 2] : vector<1x128x128xf32> to vector<1xf32>
    %reduce_max3A_580 = vector.shape_cast %reduce_max3A_579 : vector<1xf32> to vector<1x1x1xf32>
    %reduce_max3A_581 = vector.extract %reduce_max3A_580[0, 0, 0] : f32 from vector<1x1x1xf32>
    %mul3A_582 = arith.constant 64 : i32
    %mul3A_583 = arith.muli %arg0, %mul3A_582 : i32
    %add3A_584 = arith.constant 48 : i32
    %add3A_585 = arith.addi %mul3A_583, %add3A_584 : i32
    %swap3A_586 = arith.index_cast %add3A_585 : i32 to index
    %swap3A_587 = memref.load %arg3[%swap3A_586] : memref<192xf32, #tpu.memory_space<smem>>
    memref.store %reduce_max3A_581, %arg3[%swap3A_586] : memref<192xf32, #tpu.memory_space<smem>>
    %slice3A_588 = vector.extract_strided_slice %mul3A {offsets = [6272, 0], sizes = [128, 128], strides = [1, 1]} : vector<8192x128xf32> to vector<128x128xf32>
    %reduce_max3A_589 = vector.shape_cast %slice3A_588 : vector<128x128xf32> to vector<1x128x128xf32>
    %reduce_max3A_590 = arith.constant dense<0xFF800000> : vector<1xf32>
    %reduce_max3A_591 = vector.multi_reduction <maximumf>, %reduce_max3A_589, %reduce_max3A_590 [1, 2] : vector<1x128x128xf32> to vector<1xf32>
    %reduce_max3A_592 = vector.shape_cast %reduce_max3A_591 : vector<1xf32> to vector<1x1x1xf32>
    %reduce_max3A_593 = vector.extract %reduce_max3A_592[0, 0, 0] : f32 from vector<1x1x1xf32>
    %mul3A_594 = arith.constant 64 : i32
    %mul3A_595 = arith.muli %arg0, %mul3A_594 : i32
    %add3A_596 = arith.constant 49 : i32
    %add3A_597 = arith.addi %mul3A_595, %add3A_596 : i32
    %swap3A_598 = arith.index_cast %add3A_597 : i32 to index
    %swap3A_599 = memref.load %arg3[%swap3A_598] : memref<192xf32, #tpu.memory_space<smem>>
    memref.store %reduce_max3A_593, %arg3[%swap3A_598] : memref<192xf32, #tpu.memory_space<smem>>
    %slice3A_600 = vector.extract_strided_slice %mul3A {offsets = [6400, 0], sizes = [128, 128], strides = [1, 1]} : vector<8192x128xf32> to vector<128x128xf32>
    %reduce_max3A_601 = vector.shape_cast %slice3A_600 : vector<128x128xf32> to vector<1x128x128xf32>
    %reduce_max3A_602 = arith.constant dense<0xFF800000> : vector<1xf32>
    %reduce_max3A_603 = vector.multi_reduction <maximumf>, %reduce_max3A_601, %reduce_max3A_602 [1, 2] : vector<1x128x128xf32> to vector<1xf32>
    %reduce_max3A_604 = vector.shape_cast %reduce_max3A_603 : vector<1xf32> to vector<1x1x1xf32>
    %reduce_max3A_605 = vector.extract %reduce_max3A_604[0, 0, 0] : f32 from vector<1x1x1xf32>
    %mul3A_606 = arith.constant 64 : i32
    %mul3A_607 = arith.muli %arg0, %mul3A_606 : i32
    %add3A_608 = arith.constant 50 : i32
    %add3A_609 = arith.addi %mul3A_607, %add3A_608 : i32
    %swap3A_610 = arith.index_cast %add3A_609 : i32 to index
    %swap3A_611 = memref.load %arg3[%swap3A_610] : memref<192xf32, #tpu.memory_space<smem>>
    memref.store %reduce_max3A_605, %arg3[%swap3A_610] : memref<192xf32, #tpu.memory_space<smem>>
    %slice3A_612 = vector.extract_strided_slice %mul3A {offsets = [6528, 0], sizes = [128, 128], strides = [1, 1]} : vector<8192x128xf32> to vector<128x128xf32>
    %reduce_max3A_613 = vector.shape_cast %slice3A_612 : vector<128x128xf32> to vector<1x128x128xf32>
    %reduce_max3A_614 = arith.constant dense<0xFF800000> : vector<1xf32>
    %reduce_max3A_615 = vector.multi_reduction <maximumf>, %reduce_max3A_613, %reduce_max3A_614 [1, 2] : vector<1x128x128xf32> to vector<1xf32>
    %reduce_max3A_616 = vector.shape_cast %reduce_max3A_615 : vector<1xf32> to vector<1x1x1xf32>
    %reduce_max3A_617 = vector.extract %reduce_max3A_616[0, 0, 0] : f32 from vector<1x1x1xf32>
    %mul3A_618 = arith.constant 64 : i32
    %mul3A_619 = arith.muli %arg0, %mul3A_618 : i32
    %add3A_620 = arith.constant 51 : i32
    %add3A_621 = arith.addi %mul3A_619, %add3A_620 : i32
    %swap3A_622 = arith.index_cast %add3A_621 : i32 to index
    %swap3A_623 = memref.load %arg3[%swap3A_622] : memref<192xf32, #tpu.memory_space<smem>>
    memref.store %reduce_max3A_617, %arg3[%swap3A_622] : memref<192xf32, #tpu.memory_space<smem>>
    %slice3A_624 = vector.extract_strided_slice %mul3A {offsets = [6656, 0], sizes = [128, 128], strides = [1, 1]} : vector<8192x128xf32> to vector<128x128xf32>
    %reduce_max3A_625 = vector.shape_cast %slice3A_624 : vector<128x128xf32> to vector<1x128x128xf32>
    %reduce_max3A_626 = arith.constant dense<0xFF800000> : vector<1xf32>
    %reduce_max3A_627 = vector.multi_reduction <maximumf>, %reduce_max3A_625, %reduce_max3A_626 [1, 2] : vector<1x128x128xf32> to vector<1xf32>
    %reduce_max3A_628 = vector.shape_cast %reduce_max3A_627 : vector<1xf32> to vector<1x1x1xf32>
    %reduce_max3A_629 = vector.extract %reduce_max3A_628[0, 0, 0] : f32 from vector<1x1x1xf32>
    %mul3A_630 = arith.constant 64 : i32
    %mul3A_631 = arith.muli %arg0, %mul3A_630 : i32
    %add3A_632 = arith.constant 52 : i32
    %add3A_633 = arith.addi %mul3A_631, %add3A_632 : i32
    %swap3A_634 = arith.index_cast %add3A_633 : i32 to index
    %swap3A_635 = memref.load %arg3[%swap3A_634] : memref<192xf32, #tpu.memory_space<smem>>
    memref.store %reduce_max3A_629, %arg3[%swap3A_634] : memref<192xf32, #tpu.memory_space<smem>>
    %slice3A_636 = vector.extract_strided_slice %mul3A {offsets = [6784, 0], sizes = [128, 128], strides = [1, 1]} : vector<8192x128xf32> to vector<128x128xf32>
    %reduce_max3A_637 = vector.shape_cast %slice3A_636 : vector<128x128xf32> to vector<1x128x128xf32>
    %reduce_max3A_638 = arith.constant dense<0xFF800000> : vector<1xf32>
    %reduce_max3A_639 = vector.multi_reduction <maximumf>, %reduce_max3A_637, %reduce_max3A_638 [1, 2] : vector<1x128x128xf32> to vector<1xf32>
    %reduce_max3A_640 = vector.shape_cast %reduce_max3A_639 : vector<1xf32> to vector<1x1x1xf32>
    %reduce_max3A_641 = vector.extract %reduce_max3A_640[0, 0, 0] : f32 from vector<1x1x1xf32>
    %mul3A_642 = arith.constant 64 : i32
    %mul3A_643 = arith.muli %arg0, %mul3A_642 : i32
    %add3A_644 = arith.constant 53 : i32
    %add3A_645 = arith.addi %mul3A_643, %add3A_644 : i32
    %swap3A_646 = arith.index_cast %add3A_645 : i32 to index
    %swap3A_647 = memref.load %arg3[%swap3A_646] : memref<192xf32, #tpu.memory_space<smem>>
    memref.store %reduce_max3A_641, %arg3[%swap3A_646] : memref<192xf32, #tpu.memory_space<smem>>
    %slice3A_648 = vector.extract_strided_slice %mul3A {offsets = [6912, 0], sizes = [128, 128], strides = [1, 1]} : vector<8192x128xf32> to vector<128x128xf32>
    %reduce_max3A_649 = vector.shape_cast %slice3A_648 : vector<128x128xf32> to vector<1x128x128xf32>
    %reduce_max3A_650 = arith.constant dense<0xFF800000> : vector<1xf32>
    %reduce_max3A_651 = vector.multi_reduction <maximumf>, %reduce_max3A_649, %reduce_max3A_650 [1, 2] : vector<1x128x128xf32> to vector<1xf32>
    %reduce_max3A_652 = vector.shape_cast %reduce_max3A_651 : vector<1xf32> to vector<1x1x1xf32>
    %reduce_max3A_653 = vector.extract %reduce_max3A_652[0, 0, 0] : f32 from vector<1x1x1xf32>
    %mul3A_654 = arith.constant 64 : i32
    %mul3A_655 = arith.muli %arg0, %mul3A_654 : i32
    %add3A_656 = arith.constant 54 : i32
    %add3A_657 = arith.addi %mul3A_655, %add3A_656 : i32
    %swap3A_658 = arith.index_cast %add3A_657 : i32 to index
    %swap3A_659 = memref.load %arg3[%swap3A_658] : memref<192xf32, #tpu.memory_space<smem>>
    memref.store %reduce_max3A_653, %arg3[%swap3A_658] : memref<192xf32, #tpu.memory_space<smem>>
    %slice3A_660 = vector.extract_strided_slice %mul3A {offsets = [7040, 0], sizes = [128, 128], strides = [1, 1]} : vector<8192x128xf32> to vector<128x128xf32>
    %reduce_max3A_661 = vector.shape_cast %slice3A_660 : vector<128x128xf32> to vector<1x128x128xf32>
    %reduce_max3A_662 = arith.constant dense<0xFF800000> : vector<1xf32>
    %reduce_max3A_663 = vector.multi_reduction <maximumf>, %reduce_max3A_661, %reduce_max3A_662 [1, 2] : vector<1x128x128xf32> to vector<1xf32>
    %reduce_max3A_664 = vector.shape_cast %reduce_max3A_663 : vector<1xf32> to vector<1x1x1xf32>
    %reduce_max3A_665 = vector.extract %reduce_max3A_664[0, 0, 0] : f32 from vector<1x1x1xf32>
    %mul3A_666 = arith.constant 64 : i32
    %mul3A_667 = arith.muli %arg0, %mul3A_666 : i32
    %add3A_668 = arith.constant 55 : i32
    %add3A_669 = arith.addi %mul3A_667, %add3A_668 : i32
    %swap3A_670 = arith.index_cast %add3A_669 : i32 to index
    %swap3A_671 = memref.load %arg3[%swap3A_670] : memref<192xf32, #tpu.memory_space<smem>>
    memref.store %reduce_max3A_665, %arg3[%swap3A_670] : memref<192xf32, #tpu.memory_space<smem>>
    %slice3A_672 = vector.extract_strided_slice %mul3A {offsets = [7168, 0], sizes = [128, 128], strides = [1, 1]} : vector<8192x128xf32> to vector<128x128xf32>
    %reduce_max3A_673 = vector.shape_cast %slice3A_672 : vector<128x128xf32> to vector<1x128x128xf32>
    %reduce_max3A_674 = arith.constant dense<0xFF800000> : vector<1xf32>
    %reduce_max3A_675 = vector.multi_reduction <maximumf>, %reduce_max3A_673, %reduce_max3A_674 [1, 2] : vector<1x128x128xf32> to vector<1xf32>
    %reduce_max3A_676 = vector.shape_cast %reduce_max3A_675 : vector<1xf32> to vector<1x1x1xf32>
    %reduce_max3A_677 = vector.extract %reduce_max3A_676[0, 0, 0] : f32 from vector<1x1x1xf32>
    %mul3A_678 = arith.constant 64 : i32
    %mul3A_679 = arith.muli %arg0, %mul3A_678 : i32
    %add3A_680 = arith.constant 56 : i32
    %add3A_681 = arith.addi %mul3A_679, %add3A_680 : i32
    %swap3A_682 = arith.index_cast %add3A_681 : i32 to index
    %swap3A_683 = memref.load %arg3[%swap3A_682] : memref<192xf32, #tpu.memory_space<smem>>
    memref.store %reduce_max3A_677, %arg3[%swap3A_682] : memref<192xf32, #tpu.memory_space<smem>>
    %slice3A_684 = vector.extract_strided_slice %mul3A {offsets = [7296, 0], sizes = [128, 128], strides = [1, 1]} : vector<8192x128xf32> to vector<128x128xf32>
    %reduce_max3A_685 = vector.shape_cast %slice3A_684 : vector<128x128xf32> to vector<1x128x128xf32>
    %reduce_max3A_686 = arith.constant dense<0xFF800000> : vector<1xf32>
    %reduce_max3A_687 = vector.multi_reduction <maximumf>, %reduce_max3A_685, %reduce_max3A_686 [1, 2] : vector<1x128x128xf32> to vector<1xf32>
    %reduce_max3A_688 = vector.shape_cast %reduce_max3A_687 : vector<1xf32> to vector<1x1x1xf32>
    %reduce_max3A_689 = vector.extract %reduce_max3A_688[0, 0, 0] : f32 from vector<1x1x1xf32>
    %mul3A_690 = arith.constant 64 : i32
    %mul3A_691 = arith.muli %arg0, %mul3A_690 : i32
    %add3A_692 = arith.constant 57 : i32
    %add3A_693 = arith.addi %mul3A_691, %add3A_692 : i32
    %swap3A_694 = arith.index_cast %add3A_693 : i32 to index
    %swap3A_695 = memref.load %arg3[%swap3A_694] : memref<192xf32, #tpu.memory_space<smem>>
    memref.store %reduce_max3A_689, %arg3[%swap3A_694] : memref<192xf32, #tpu.memory_space<smem>>
    %slice3A_696 = vector.extract_strided_slice %mul3A {offsets = [7424, 0], sizes = [128, 128], strides = [1, 1]} : vector<8192x128xf32> to vector<128x128xf32>
    %reduce_max3A_697 = vector.shape_cast %slice3A_696 : vector<128x128xf32> to vector<1x128x128xf32>
    %reduce_max3A_698 = arith.constant dense<0xFF800000> : vector<1xf32>
    %reduce_max3A_699 = vector.multi_reduction <maximumf>, %reduce_max3A_697, %reduce_max3A_698 [1, 2] : vector<1x128x128xf32> to vector<1xf32>
    %reduce_max3A_700 = vector.shape_cast %reduce_max3A_699 : vector<1xf32> to vector<1x1x1xf32>
    %reduce_max3A_701 = vector.extract %reduce_max3A_700[0, 0, 0] : f32 from vector<1x1x1xf32>
    %mul3A_702 = arith.constant 64 : i32
    %mul3A_703 = arith.muli %arg0, %mul3A_702 : i32
    %add3A_704 = arith.constant 58 : i32
    %add3A_705 = arith.addi %mul3A_703, %add3A_704 : i32
    %swap3A_706 = arith.index_cast %add3A_705 : i32 to index
    %swap3A_707 = memref.load %arg3[%swap3A_706] : memref<192xf32, #tpu.memory_space<smem>>
    memref.store %reduce_max3A_701, %arg3[%swap3A_706] : memref<192xf32, #tpu.memory_space<smem>>
    %slice3A_708 = vector.extract_strided_slice %mul3A {offsets = [7552, 0], sizes = [128, 128], strides = [1, 1]} : vector<8192x128xf32> to vector<128x128xf32>
    %reduce_max3A_709 = vector.shape_cast %slice3A_708 : vector<128x128xf32> to vector<1x128x128xf32>
    %reduce_max3A_710 = arith.constant dense<0xFF800000> : vector<1xf32>
    %reduce_max3A_711 = vector.multi_reduction <maximumf>, %reduce_max3A_709, %reduce_max3A_710 [1, 2] : vector<1x128x128xf32> to vector<1xf32>
    %reduce_max3A_712 = vector.shape_cast %reduce_max3A_711 : vector<1xf32> to vector<1x1x1xf32>
    %reduce_max3A_713 = vector.extract %reduce_max3A_712[0, 0, 0] : f32 from vector<1x1x1xf32>
    %mul3A_714 = arith.constant 64 : i32
    %mul3A_715 = arith.muli %arg0, %mul3A_714 : i32
    %add3A_716 = arith.constant 59 : i32
    %add3A_717 = arith.addi %mul3A_715, %add3A_716 : i32
    %swap3A_718 = arith.index_cast %add3A_717 : i32 to index
    %swap3A_719 = memref.load %arg3[%swap3A_718] : memref<192xf32, #tpu.memory_space<smem>>
    memref.store %reduce_max3A_713, %arg3[%swap3A_718] : memref<192xf32, #tpu.memory_space<smem>>
    %slice3A_720 = vector.extract_strided_slice %mul3A {offsets = [7680, 0], sizes = [128, 128], strides = [1, 1]} : vector<8192x128xf32> to vector<128x128xf32>
    %reduce_max3A_721 = vector.shape_cast %slice3A_720 : vector<128x128xf32> to vector<1x128x128xf32>
    %reduce_max3A_722 = arith.constant dense<0xFF800000> : vector<1xf32>
    %reduce_max3A_723 = vector.multi_reduction <maximumf>, %reduce_max3A_721, %reduce_max3A_722 [1, 2] : vector<1x128x128xf32> to vector<1xf32>
    %reduce_max3A_724 = vector.shape_cast %reduce_max3A_723 : vector<1xf32> to vector<1x1x1xf32>
    %reduce_max3A_725 = vector.extract %reduce_max3A_724[0, 0, 0] : f32 from vector<1x1x1xf32>
    %mul3A_726 = arith.constant 64 : i32
    %mul3A_727 = arith.muli %arg0, %mul3A_726 : i32
    %add3A_728 = arith.constant 60 : i32
    %add3A_729 = arith.addi %mul3A_727, %add3A_728 : i32
    %swap3A_730 = arith.index_cast %add3A_729 : i32 to index
    %swap3A_731 = memref.load %arg3[%swap3A_730] : memref<192xf32, #tpu.memory_space<smem>>
    memref.store %reduce_max3A_725, %arg3[%swap3A_730] : memref<192xf32, #tpu.memory_space<smem>>
    %slice3A_732 = vector.extract_strided_slice %mul3A {offsets = [7808, 0], sizes = [128, 128], strides = [1, 1]} : vector<8192x128xf32> to vector<128x128xf32>
    %reduce_max3A_733 = vector.shape_cast %slice3A_732 : vector<128x128xf32> to vector<1x128x128xf32>
    %reduce_max3A_734 = arith.constant dense<0xFF800000> : vector<1xf32>
    %reduce_max3A_735 = vector.multi_reduction <maximumf>, %reduce_max3A_733, %reduce_max3A_734 [1, 2] : vector<1x128x128xf32> to vector<1xf32>
    %reduce_max3A_736 = vector.shape_cast %reduce_max3A_735 : vector<1xf32> to vector<1x1x1xf32>
    %reduce_max3A_737 = vector.extract %reduce_max3A_736[0, 0, 0] : f32 from vector<1x1x1xf32>
    %mul3A_738 = arith.constant 64 : i32
    %mul3A_739 = arith.muli %arg0, %mul3A_738 : i32
    %add3A_740 = arith.constant 61 : i32
    %add3A_741 = arith.addi %mul3A_739, %add3A_740 : i32
    %swap3A_742 = arith.index_cast %add3A_741 : i32 to index
    %swap3A_743 = memref.load %arg3[%swap3A_742] : memref<192xf32, #tpu.memory_space<smem>>
    memref.store %reduce_max3A_737, %arg3[%swap3A_742] : memref<192xf32, #tpu.memory_space<smem>>
    %slice3A_744 = vector.extract_strided_slice %mul3A {offsets = [7936, 0], sizes = [128, 128], strides = [1, 1]} : vector<8192x128xf32> to vector<128x128xf32>
    %reduce_max3A_745 = vector.shape_cast %slice3A_744 : vector<128x128xf32> to vector<1x128x128xf32>
    %reduce_max3A_746 = arith.constant dense<0xFF800000> : vector<1xf32>
    %reduce_max3A_747 = vector.multi_reduction <maximumf>, %reduce_max3A_745, %reduce_max3A_746 [1, 2] : vector<1x128x128xf32> to vector<1xf32>
    %reduce_max3A_748 = vector.shape_cast %reduce_max3A_747 : vector<1xf32> to vector<1x1x1xf32>
    %reduce_max3A_749 = vector.extract %reduce_max3A_748[0, 0, 0] : f32 from vector<1x1x1xf32>
    %mul3A_750 = arith.constant 64 : i32
    %mul3A_751 = arith.muli %arg0, %mul3A_750 : i32
    %add3A_752 = arith.constant 62 : i32
    %add3A_753 = arith.addi %mul3A_751, %add3A_752 : i32
    %swap3A_754 = arith.index_cast %add3A_753 : i32 to index
    %swap3A_755 = memref.load %arg3[%swap3A_754] : memref<192xf32, #tpu.memory_space<smem>>
    memref.store %reduce_max3A_749, %arg3[%swap3A_754] : memref<192xf32, #tpu.memory_space<smem>>
    %slice3A_756 = vector.extract_strided_slice %mul3A {offsets = [8064, 0], sizes = [128, 128], strides = [1, 1]} : vector<8192x128xf32> to vector<128x128xf32>
    %reduce_max3A_757 = vector.shape_cast %slice3A_756 : vector<128x128xf32> to vector<1x128x128xf32>
    %reduce_max3A_758 = arith.constant dense<0xFF800000> : vector<1xf32>
    %reduce_max3A_759 = vector.multi_reduction <maximumf>, %reduce_max3A_757, %reduce_max3A_758 [1, 2] : vector<1x128x128xf32> to vector<1xf32>
    %reduce_max3A_760 = vector.shape_cast %reduce_max3A_759 : vector<1xf32> to vector<1x1x1xf32>
    %reduce_max3A_761 = vector.extract %reduce_max3A_760[0, 0, 0] : f32 from vector<1x1x1xf32>
    %mul3A_762 = arith.constant 64 : i32
    %mul3A_763 = arith.muli %arg0, %mul3A_762 : i32
    %add3A_764 = arith.constant 63 : i32
    %add3A_765 = arith.addi %mul3A_763, %add3A_764 : i32
    %swap3A_766 = arith.index_cast %add3A_765 : i32 to index
    %swap3A_767 = memref.load %arg3[%swap3A_766] : memref<192xf32, #tpu.memory_space<smem>>
    memref.store %reduce_max3A_761, %arg3[%swap3A_766] : memref<192xf32, #tpu.memory_space<smem>>
    %eq3A = arith.constant 2 : i32
    %eq3A_768 = arith.cmpi eq, %arg0, %eq3A : i32
    %convert_element_type3A = arith.extui %eq3A_768 : i1 to i32
    %cond3A = arith.constant 0 : i32
    %cond3A_769 = arith.cmpi ne, %convert_element_type3A, %cond3A : i32
    scf.if %cond3A_769 {
      %scan3A = arith.constant -1.000000e+00 : f32
      %scan3A_770 = arith.constant 0 : i32
      %scan3A_771 = arith.constant 0 : i32
      %scan3A_772 = arith.constant 192 : i32
      %scan3A_773 = arith.addi %scan3A_771, %scan3A_772 : i32
      %scan3A_774 = arith.constant 1 : i32
      %scan3A_775:2 = scf.for %scan3A_781 = %scan3A_771 to %scan3A_773 step %scan3A_774 iter_args(%scan3A_782 = %scan3A, %scan3A_783 = %scan3A_770) -> (f32, i32)  : i32 {
        %get3A_784 = arith.index_cast %scan3A_781 : i32 to index
        %get3A_785 = memref.load %arg3[%get3A_784] : memref<192xf32, #tpu.memory_space<smem>>
        %gt3A = arith.cmpf ogt, %get3A_785, %scan3A_782 : f32
        %select_n3A = arith.select %gt3A, %get3A_785, %scan3A_782 : f32
        %select_n3A_786 = arith.select %gt3A, %scan3A_781, %scan3A_783 : i32
        scf.yield %select_n3A, %select_n3A_786 : f32, i32
      }
      %scan3A_776 = arith.constant 192 : i32
      %swap3A_777 = arith.constant 0 : index
      %swap3A_778 = memref.load %arg4[%swap3A_777] : memref<1xf32, #tpu.memory_space<smem>>
      memref.store %scan3A_775#0, %arg4[%swap3A_777] : memref<1xf32, #tpu.memory_space<smem>>
      %swap3A_779 = arith.constant 0 : index
      %swap3A_780 = memref.load %arg5[%swap3A_779] : memref<1xi32, #tpu.memory_space<smem>>
      memref.store %scan3A_775#1, %arg5[%swap3A_779] : memref<1xi32, #tpu.memory_space<smem>>
    } else {
    }
    return
  }
  func.func @transform_0(%arg0: i32) -> i32 {
    %add3A = arith.constant 1 : i32
    %add3A_0 = arith.addi %add3A, %arg0 : i32
    %c0_i32 = arith.constant 0 : i32
    return %add3A_0 : i32
  }
  func.func @transform_1(%arg0: i32) -> i32 {
    %add3A = arith.constant 1 : i32
    %add3A_0 = arith.addi %add3A, %arg0 : i32
    %c0_i32 = arith.constant 0 : i32
    return %add3A_0 : i32
  }
  func.func @transform_2(%arg0: i32) -> i32 {
    %c0_i32 = arith.constant 0 : i32
    %c0_i32_0 = arith.constant 0 : i32
    return %c0_i32 : i32
  }
  func.func @transform_3(%arg0: i32) -> i32 {
    %c0_i32 = arith.constant 0 : i32
    %c0_i32_0 = arith.constant 0 : i32
    return %c0_i32 : i32
  }
  func.func @transform_4(%arg0: i32) -> i32 {
    %c0_i32 = arith.constant 0 : i32
    %c0_i32_0 = arith.constant 0 : i32
    return %c0_i32 : i32
  }
}

module attributes {stable_mosaic.version = 14 : i64} {
  func.func @_merge_body(%arg0: i32, %arg1: memref<1xi32, #tpu.memory_space<smem>>, %arg2: memref<16384xf32, #tpu.memory_space<vmem>>, %arg3: memref<16384xf32, #tpu.memory_space<vmem>>, %arg4: memref<1xf32, #tpu.memory_space<smem>>, %arg5: memref<32x48xf32, #tpu.memory_space<vmem>>, %arg6: memref<32x16xi32, #tpu.memory_space<vmem>>, %arg7: memref<1xf32, #tpu.memory_space<smem>>, %arg8: memref<1xf32, #tpu.memory_space<smem>>, %arg9: memref<1xf32, #tpu.memory_space<smem>>) attributes {dimension_semantics = [#tpu.dimension_semantics<arbitrary>], iteration_bounds = array<i64: 1>, scalar_prefetch = 1 : i64, scratch_operands = 0 : i64, tpu.core_type = #tpu.core_type<tc>, window_params = [{transform_indices = @transform_0, window_bounds = array<i64: 16384>}, {transform_indices = @transform_1, window_bounds = array<i64: 16384>}, {transform_indices = @transform_2, window_bounds = array<i64: 1>}, {pipeline_mode = #tpu.pipeline_mode<synchronous>, transform_indices = @transform_3, window_bounds = array<i64: 32, 48>}, {pipeline_mode = #tpu.pipeline_mode<synchronous>, transform_indices = @transform_4, window_bounds = array<i64: 32, 16>}, {transform_indices = @transform_5, window_bounds = array<i64: 1>}, {transform_indices = @transform_6, window_bounds = array<i64: 1>}, {transform_indices = @transform_7, window_bounds = array<i64: 1>}]} {
    %get3A = arith.constant 0 : index
    %get3A_0 = arith.constant 0 : index
    %get3A_1 = vector.load %arg5[%get3A, %get3A_0] : memref<32x48xf32, #tpu.memory_space<vmem>>, vector<32x48xf32>
    %slice3A = vector.extract_strided_slice %get3A_1 {offsets = [0, 0], sizes = [32, 16], strides = [1, 1]} : vector<32x48xf32> to vector<32x16xf32>
    %get3A_2 = arith.constant 0 : index
    %get3A_3 = arith.constant 0 : index
    %get3A_4 = vector.load %arg6[%get3A_2, %get3A_3] : memref<32x16xi32, #tpu.memory_space<vmem>>, vector<32x16xi32>
    %reduce_max3A = vector.shape_cast %slice3A : vector<32x16xf32> to vector<1x32x16xf32>
    %reduce_max3A_5 = arith.constant dense<0xFF800000> : vector<1xf32>
    %reduce_max3A_6 = vector.multi_reduction <maximumf>, %reduce_max3A, %reduce_max3A_5 [1, 2] : vector<1x32x16xf32> to vector<1xf32>
    %reduce_max3A_7 = vector.shape_cast %reduce_max3A_6 : vector<1xf32> to vector<1x1x1xf32>
    %reduce_max3A_8 = vector.extract %reduce_max3A_7[0, 0, 0] : f32 from vector<1x1x1xf32>
    %eq3A = vector.broadcast %reduce_max3A_8 : f32 to vector<32x16xf32>
    %eq3A_9 = arith.cmpf oeq, %slice3A, %eq3A : vector<32x16xf32>
    %jit3A = arith.constant 1073741824 : i32
    %broadcast_in_dim3A = vector.broadcast %jit3A : i32 to vector<32x16xi32>
    %select_n3A = arith.select %eq3A_9, %get3A_4, %broadcast_in_dim3A : vector<32x16xi1>, vector<32x16xi32>
    %reduce_min3A = vector.shape_cast %select_n3A : vector<32x16xi32> to vector<1x32x16xi32>
    %reduce_min3A_10 = arith.constant dense<2147483647> : vector<1xi32>
    %reduce_min3A_11 = vector.multi_reduction <minsi>, %reduce_min3A, %reduce_min3A_10 [1, 2] : vector<1x32x16xi32> to vector<1xi32>
    %reduce_min3A_12 = vector.shape_cast %reduce_min3A_11 : vector<1xi32> to vector<1x1x1xi32>
    %reduce_min3A_13 = vector.extract %reduce_min3A_12[0, 0, 0] : i32 from vector<1x1x1xi32>
    %eq3A_14 = vector.broadcast %reduce_min3A_13 : i32 to vector<32x16xi32>
    %eq3A_15 = arith.cmpi eq, %get3A_4, %eq3A_14 : vector<32x16xi32>
    %and3A = arith.andi %eq3A_9, %eq3A_15 : vector<32x16xi1>
    %slice3A_16 = vector.extract_strided_slice %get3A_1 {offsets = [0, 16], sizes = [32, 16], strides = [1, 1]} : vector<32x48xf32> to vector<32x16xf32>
    %jit3A_17 = arith.constant -3.400000e+38 : f32
    %broadcast_in_dim3A_18 = vector.broadcast %jit3A_17 : f32 to vector<32x16xf32>
    %select_n3A_19 = arith.select %and3A, %slice3A_16, %broadcast_in_dim3A_18 : vector<32x16xi1>, vector<32x16xf32>
    %reduce_max3A_20 = vector.shape_cast %select_n3A_19 : vector<32x16xf32> to vector<1x32x16xf32>
    %reduce_max3A_21 = arith.constant dense<0xFF800000> : vector<1xf32>
    %reduce_max3A_22 = vector.multi_reduction <maximumf>, %reduce_max3A_20, %reduce_max3A_21 [1, 2] : vector<1x32x16xf32> to vector<1xf32>
    %reduce_max3A_23 = vector.shape_cast %reduce_max3A_22 : vector<1xf32> to vector<1x1x1xf32>
    %reduce_max3A_24 = vector.extract %reduce_max3A_23[0, 0, 0] : f32 from vector<1x1x1xf32>
    %slice3A_25 = vector.extract_strided_slice %get3A_1 {offsets = [0, 32], sizes = [32, 16], strides = [1, 1]} : vector<32x48xf32> to vector<32x16xf32>
    %jit3A_26 = arith.constant -3.400000e+38 : f32
    %broadcast_in_dim3A_27 = vector.broadcast %jit3A_26 : f32 to vector<32x16xf32>
    %select_n3A_28 = arith.select %and3A, %slice3A_25, %broadcast_in_dim3A_27 : vector<32x16xi1>, vector<32x16xf32>
    %reduce_max3A_29 = vector.shape_cast %select_n3A_28 : vector<32x16xf32> to vector<1x32x16xf32>
    %reduce_max3A_30 = arith.constant dense<0xFF800000> : vector<1xf32>
    %reduce_max3A_31 = vector.multi_reduction <maximumf>, %reduce_max3A_29, %reduce_max3A_30 [1, 2] : vector<1x32x16xf32> to vector<1xf32>
    %reduce_max3A_32 = vector.shape_cast %reduce_max3A_31 : vector<1xf32> to vector<1x1x1xf32>
    %reduce_max3A_33 = vector.extract %reduce_max3A_32[0, 0, 0] : f32 from vector<1x1x1xf32>
    %get3A_34 = arith.constant 0 : index
    %get3A_35 = memref.load %arg4[%get3A_34] : memref<1xf32, #tpu.memory_space<smem>>
    %get3A_36 = arith.constant 0 : index
    %get3A_37 = vector.load %arg2[%get3A_36] : memref<16384xf32, #tpu.memory_space<vmem>>, vector<16384xf32>
    %reshape3A = vector.shape_cast %get3A_37 : vector<16384xf32> to vector<128x128xf32>
    %get3A_38 = arith.constant 0 : index
    %get3A_39 = vector.load %arg3[%get3A_38] : memref<16384xf32, #tpu.memory_space<vmem>>, vector<16384xf32>
    %reshape3A_40 = vector.shape_cast %get3A_39 : vector<16384xf32> to vector<128x128xf32>
    %sub3A = arith.subf %reshape3A, %reshape3A_40 : vector<128x128xf32>
    %mul3A = arith.mulf %sub3A, %sub3A : vector<128x128xf32>
    %iota3A = tpu.iota {dimensions = array<i32: 0>} : vector<128x128xi32>
    %iota3A_41 = tpu.iota {dimensions = array<i32: 1>} : vector<128x128xi32>
    %get3A_42 = arith.constant 0 : index
    %get3A_43 = memref.load %arg1[%get3A_42] : memref<1xi32, #tpu.memory_space<smem>>
    %mul3A_44 = arith.constant 16384 : i32
    %mul3A_45 = arith.muli %get3A_43, %mul3A_44 : i32
    %add3A = arith.constant 1048576 : i32
    %add3A_46 = arith.addi %add3A, %mul3A_45 : i32
    %mul3A_47 = arith.constant 128 : i32
    %mul3A_48 = vector.broadcast %mul3A_47 : i32 to vector<128x128xi32>
    %mul3A_49 = arith.muli %iota3A, %mul3A_48 : vector<128x128xi32>
    %add3A_50 = vector.broadcast %add3A_46 : i32 to vector<128x128xi32>
    %add3A_51 = arith.addi %add3A_50, %mul3A_49 : vector<128x128xi32>
    %add3A_52 = arith.addi %add3A_51, %iota3A_41 : vector<128x128xi32>
    %eq3A_53 = vector.broadcast %get3A_35 : f32 to vector<128x128xf32>
    %eq3A_54 = arith.cmpf oeq, %mul3A, %eq3A_53 : vector<128x128xf32>
    %jit3A_55 = arith.constant 1073741824 : i32
    %broadcast_in_dim3A_56 = vector.broadcast %jit3A_55 : i32 to vector<128x128xi32>
    %select_n3A_57 = arith.select %eq3A_54, %add3A_52, %broadcast_in_dim3A_56 : vector<128x128xi1>, vector<128x128xi32>
    %reduce_min3A_58 = vector.shape_cast %select_n3A_57 : vector<128x128xi32> to vector<1x128x128xi32>
    %reduce_min3A_59 = arith.constant dense<2147483647> : vector<1xi32>
    %reduce_min3A_60 = vector.multi_reduction <minsi>, %reduce_min3A_58, %reduce_min3A_59 [1, 2] : vector<1x128x128xi32> to vector<1xi32>
    %reduce_min3A_61 = vector.shape_cast %reduce_min3A_60 : vector<1xi32> to vector<1x1x1xi32>
    %reduce_min3A_62 = vector.extract %reduce_min3A_61[0, 0, 0] : i32 from vector<1x1x1xi32>
    %eq3A_63 = vector.broadcast %reduce_min3A_62 : i32 to vector<128x128xi32>
    %eq3A_64 = arith.cmpi eq, %add3A_52, %eq3A_63 : vector<128x128xi32>
    %and3A_65 = arith.andi %eq3A_54, %eq3A_64 : vector<128x128xi1>
    %jit3A_66 = arith.constant -3.400000e+38 : f32
    %broadcast_in_dim3A_67 = vector.broadcast %jit3A_66 : f32 to vector<128x128xf32>
    %select_n3A_68 = arith.select %and3A_65, %reshape3A, %broadcast_in_dim3A_67 : vector<128x128xi1>, vector<128x128xf32>
    %reduce_max3A_69 = vector.shape_cast %select_n3A_68 : vector<128x128xf32> to vector<1x128x128xf32>
    %reduce_max3A_70 = arith.constant dense<0xFF800000> : vector<1xf32>
    %reduce_max3A_71 = vector.multi_reduction <maximumf>, %reduce_max3A_69, %reduce_max3A_70 [1, 2] : vector<1x128x128xf32> to vector<1xf32>
    %reduce_max3A_72 = vector.shape_cast %reduce_max3A_71 : vector<1xf32> to vector<1x1x1xf32>
    %reduce_max3A_73 = vector.extract %reduce_max3A_72[0, 0, 0] : f32 from vector<1x1x1xf32>
    %jit3A_74 = arith.constant -3.400000e+38 : f32
    %broadcast_in_dim3A_75 = vector.broadcast %jit3A_74 : f32 to vector<128x128xf32>
    %select_n3A_76 = arith.select %and3A_65, %reshape3A_40, %broadcast_in_dim3A_75 : vector<128x128xi1>, vector<128x128xf32>
    %reduce_max3A_77 = vector.shape_cast %select_n3A_76 : vector<128x128xf32> to vector<1x128x128xf32>
    %reduce_max3A_78 = arith.constant dense<0xFF800000> : vector<1xf32>
    %reduce_max3A_79 = vector.multi_reduction <maximumf>, %reduce_max3A_77, %reduce_max3A_78 [1, 2] : vector<1x128x128xf32> to vector<1xf32>
    %reduce_max3A_80 = vector.shape_cast %reduce_max3A_79 : vector<1xf32> to vector<1x1x1xf32>
    %reduce_max3A_81 = vector.extract %reduce_max3A_80[0, 0, 0] : f32 from vector<1x1x1xf32>
    %gt3A = arith.cmpf ogt, %get3A_35, %reduce_max3A_8 : f32
    %select_n3A_82 = arith.select %gt3A, %get3A_35, %reduce_max3A_8 : f32
    %sqrt3A = math.sqrt %select_n3A_82 : f32
    %swap3A = arith.constant 0 : index
    %swap3A_83 = memref.load %arg7[%swap3A] : memref<1xf32, #tpu.memory_space<smem>>
    memref.store %sqrt3A, %arg7[%swap3A] : memref<1xf32, #tpu.memory_space<smem>>
    %select_n3A_84 = arith.select %gt3A, %reduce_max3A_73, %reduce_max3A_24 : f32
    %swap3A_85 = arith.constant 0 : index
    %swap3A_86 = memref.load %arg8[%swap3A_85] : memref<1xf32, #tpu.memory_space<smem>>
    memref.store %select_n3A_84, %arg8[%swap3A_85] : memref<1xf32, #tpu.memory_space<smem>>
    %select_n3A_87 = arith.select %gt3A, %reduce_max3A_81, %reduce_max3A_33 : f32
    %swap3A_88 = arith.constant 0 : index
    %swap3A_89 = memref.load %arg9[%swap3A_88] : memref<1xf32, #tpu.memory_space<smem>>
    memref.store %select_n3A_87, %arg9[%swap3A_88] : memref<1xf32, #tpu.memory_space<smem>>
    return
  }
  func.func @transform_0(%arg0: i32, %arg1: memref<1xi32, #tpu.memory_space<smem>>) -> i32 {
    %get3A = arith.constant 0 : index
    %get3A_0 = memref.load %arg1[%get3A] : memref<1xi32, #tpu.memory_space<smem>>
    %add3A = arith.constant 64 : i32
    %add3A_1 = arith.addi %add3A, %get3A_0 : i32
    %c0_i32 = arith.constant 0 : i32
    return %add3A_1 : i32
  }
  func.func @transform_1(%arg0: i32, %arg1: memref<1xi32, #tpu.memory_space<smem>>) -> i32 {
    %get3A = arith.constant 0 : index
    %get3A_0 = memref.load %arg1[%get3A] : memref<1xi32, #tpu.memory_space<smem>>
    %add3A = arith.constant 64 : i32
    %add3A_1 = arith.addi %add3A, %get3A_0 : i32
    %c0_i32 = arith.constant 0 : i32
    return %add3A_1 : i32
  }
  func.func @transform_2(%arg0: i32, %arg1: memref<1xi32, #tpu.memory_space<smem>>) -> i32 {
    %c0_i32 = arith.constant 0 : i32
    %c0_i32_0 = arith.constant 0 : i32
    return %c0_i32 : i32
  }
  func.func @transform_3(%arg0: i32, %arg1: memref<1xi32, #tpu.memory_space<smem>>) -> (i32, i32) {
    %c0_i32 = arith.constant 0 : i32
    %c0_i32_0 = arith.constant 0 : i32
    %c0_i32_1 = arith.constant 0 : i32
    return %c0_i32, %c0_i32_0 : i32, i32
  }
  func.func @transform_4(%arg0: i32, %arg1: memref<1xi32, #tpu.memory_space<smem>>) -> (i32, i32) {
    %c0_i32 = arith.constant 0 : i32
    %c0_i32_0 = arith.constant 0 : i32
    %c0_i32_1 = arith.constant 0 : i32
    return %c0_i32, %c0_i32_0 : i32, i32
  }
  func.func @transform_5(%arg0: i32, %arg1: memref<1xi32, #tpu.memory_space<smem>>) -> i32 {
    %c0_i32 = arith.constant 0 : i32
    %c0_i32_0 = arith.constant 0 : i32
    return %c0_i32 : i32
  }
  func.func @transform_6(%arg0: i32, %arg1: memref<1xi32, #tpu.memory_space<smem>>) -> i32 {
    %c0_i32 = arith.constant 0 : i32
    %c0_i32_0 = arith.constant 0 : i32
    return %c0_i32 : i32
  }
  func.func @transform_7(%arg0: i32, %arg1: memref<1xi32, #tpu.memory_space<smem>>) -> i32 {
    %c0_i32 = arith.constant 0 : i32
    %c0_i32_0 = arith.constant 0 : i32
    return %c0_i32 : i32
  }
}

</mosaic_0001>

<sc_bundles>
// kernel: kernel.5.cloned.1.call-start
scs
__scs_entry_jumppad:
0x0: {  	(pc) =	sbr.rel $0x88, $3  }
0x1: {  	(tag) =	ssettag $0x0;
	lr =	simm.s32 $0x1  }
0x2: {  	[smem:$0x3F9F] =	sst lr;
	_ =	strace $0xD0000000  }
0x3: {  	_ = 	snop  }
0x4: {  	_ = 	snop  }
0x5: {  	_ = 	snop  }
0x6: {  	_ = 	snop  }
0x7: {  	_ = 	snop  }
__scs_overlays_trampoline_lowered:
0x8: {  	[smem:$0x3FAE] =	sst s0  }
0x9: {  	[smem:$0x3FAF] =	sst s1  }
0xa: {  	[smem:$0x3FB0] =	sst s2  }
0xb: {  	[smem:$0x3FB1] =	sst s3  }
0xc: {  	[smem:$0x3FB2] =	sst s4  }
0xd: {  	[smem:$0x3FB3] =	sst s5  }
0xe: {  	[smem:$0x3FB4] =	sst s6  }
0xf: {  	[smem:$0x3FB5] =	sst s7  }
0x10: {  	[smem:$0x3FB6] =	sst s8  }
0x11: {  	[smem:$0x3FB7] =	sst s9;
	s0 =	simm.s32 @!p0 $0x0  }
0x12: {  	s1 =	sld [smem:$0x3F9D];
	s0 =	simm.s32 @p0 $0x1  }
0x13: {  	[smem:$0x3FB8] =	sst s0;
	s0 =	simm.s32 @!p1 $0x0  }
0x14: {  	s2 =	sld [smem:$0x3F9C];
	s0 =	simm.s32 @p1 $0x1  }
0x15: {  	[smem:$0x3FB9] =	sst s0;
	s0 =	simm.s32 @!p2 $0x0  }
0x16: {  	s3 =	sld [smem:$0x3FDB];
	s0 =	simm.s32 @p2 $0x1  }
0x17: {  	s4 =	simm.s32 $0x1BF5;
	[smem:$0x3FBB] =	sst s0  }
0x18: {  	s0 =	sld [smem:$0x3F9E];
	_ =	swait.ge [sflag:s4], $0x0  }
0x19: {  	s7 =	sld [smem:$0x3F9F]  }
0x1a: {  	s8 =	sadd.s32 $0xFFFFE003, lr  }
0x1b: {  	s9 =	sadd.s32 $0xFFFFFEF7, lr;
	s5 =	simm.s32 $0xFFFFFFFF;
	p2 =	slt.u32 s8, $0xFFFFF086  }
0x1c: {  	p1 =	slt.u32 s9, $0xF7A;
	s5 =	simm.s32 @!p2 $0x0  }
0x1d: {  	s5 =	simm.s32 @p1 $0x1;
	p0 =	seq.s32 s7, s2  }
0x1e: {  	s7 =	smul.u32 @!p0 $0xF7A, s2;
	p2 =	seq.s32 @!p0 s5, $0x0  }
0x1f: {  	s9 =	smul.u32 $0xF7A, s1;
	s8 =	simm.s32 @!p0 $0x1BF5;
	p2 =	por !p2, p0  }
0x20: {  	[sflag:s8] =	ssyncset.s32 @!p0 $0xFFFFF086;
	s6 =	sadd.s32 @!p0 s3, s7;
	s7 =	simm.s32 @!p0 $0x108  }
0x21: {  	s3 =	sadd.s32 s3, s9;
	s6 =	sadd.s32 @!p0 $0x88, s6;
	s7 =	simm.s32 @p2 $0x1082  }
0x22: {  	[simem:s7], [sflag:s8] =	dma.local @!p0 [hbm:s6], $0xF7A  }
0x23: {  	s9 =	sor.u32 $0xD0000000, s2;
	s6 =	simm.s32 $0x108;
	_ =	swait.ge @!p0 [sflag:s8], $0x0  }
0x24: {  	s3 =	sadd.s32 $0x88, s3;
	s6 =	simm.s32 @!p1 $0x1082;
	[sflag:s4] =	ssyncset.s32 $0xFFFFF086  }
0x25: {  	[simem:s6], [sflag:s4] =	dma.local [hbm:s3], $0xF7A  }
0x26: {  	[smem:$0x3F9F] =	sst s1;
	(tag) =	ssettag s2;
	_ =	strace s9  }
0x27: {  	s1 =	sld [smem:$0x3FAF]  }
0x28: {  	s2 =	sld [smem:$0x3FB0]  }
0x29: {  	s4 =	sld [smem:$0x3FB2]  }
0x2a: {  	p0 =	seq.s32 s5, $0x0;
	s5 =	sld [smem:$0x3FB3]  }
0x2b: {  	s6 =	sld [smem:$0x3FB4]  }
0x2c: {  	s7 =	sld [smem:$0x3FB5]  }
0x2d: {  	s3 =	simm.s32 $0x108;
	s8 =	sld [smem:$0x3FB6]  }
0x2e: {  	s3 =	simm.s32 @!p0 $0x1082;
	s9 =	sld [smem:$0x3FB7]  }
0x2f: {  	lr =	sadd.s32 s0, s3;
	s0 =	sld [smem:$0x3FAE]  }
0x30: {  	s3 =	sld [smem:$0x3FB1]  }
0x31: {  	[smem:$0x3FBA] =	sst s10  }
0x32: {  	s10 =	sld [smem:$0x3FB8];
	_ =	sdelay $0x3  }
0x33: {  	p0 =	seq.s32 s10, $0x1;
	s10 =	sld [smem:$0x3FBA];
	_ =	sdelay $0x3  }
0x34: {  	[smem:$0x3FBA] =	sst s10  }
0x35: {  	s10 =	sld [smem:$0x3FB9];
	_ =	sdelay $0x3  }
0x36: {  	p1 =	seq.s32 s10, $0x1;
	s10 =	sld [smem:$0x3FBA];
	_ =	sdelay $0x3  }
0x37: {  	[smem:$0x3FBA] =	sst s10  }
0x38: {  	s10 =	sld [smem:$0x3FBB]  }
0x39: {  	_ = 	snop;
	(pc) =	sbr.ind lr, $3  }
0x3a: {  	_ = 	snop  }
0x3b: {  	_ = 	snop  }
0x3c: {  	p2 =	seq.s32 s10, $0x1;
	s10 =	sld [smem:$0x3FBA]  }
0x3d: {  	_ =	shalt  }
0x3e: {  	_ =	shalt  }
0x3f: {  	_ =	shalt  }
0x40: {  	_ =	shalt  }
0x41: {  	_ =	shalt  }
0x42: {  	_ =	shalt  }
0x43: {  	_ =	shalt  }
0x44: {  	_ =	shalt  }
0x45: {  	_ =	shalt  }
0x46: {  	_ =	shalt  }
0x47: {  	_ =	shalt  }
0x48: {  	_ =	shalt  }
0x49: {  	_ =	shalt  }
0x4a: {  	_ =	shalt  }
0x4b: {  	_ =	shalt  }
0x4c: {  	_ =	shalt  }
0x4d: {  	_ =	shalt  }
0x4e: {  	_ =	shalt  }
0x4f: {  	_ =	shalt  }
0x50: {  	_ =	shalt  }
0x51: {  	_ =	shalt  }
0x52: {  	_ =	shalt  }
0x53: {  	_ =	shalt  }
0x54: {  	_ =	shalt  }
0x55: {  	_ =	shalt  }
0x56: {  	_ =	shalt  }
0x57: {  	_ =	shalt  }
0x58: {  	_ =	shalt  }
0x59: {  	_ =	shalt  }
0x5a: {  	_ =	shalt  }
0x5b: {  	_ =	shalt  }
0x5c: {  	_ =	shalt  }
0x5d: {  	_ =	shalt  }
0x5e: {  	_ =	shalt  }
0x5f: {  	_ =	shalt  }
0x60: {  	_ =	shalt  }
0x61: {  	_ =	shalt  }
0x62: {  	_ =	shalt  }
0x63: {  	_ =	shalt  }
0x64: {  	_ =	shalt  }
0x65: {  	_ =	shalt  }
0x66: {  	_ =	shalt  }
0x67: {  	_ =	shalt  }
0x68: {  	_ =	shalt  }
0x69: {  	_ =	shalt  }
0x6a: {  	_ =	shalt  }
0x6b: {  	_ =	shalt  }
0x6c: {  	_ =	shalt  }
0x6d: {  	_ =	shalt  }
0x6e: {  	_ =	shalt  }
0x6f: {  	_ =	shalt  }
0x70: {  	_ =	shalt  }
0x71: {  	_ =	shalt  }
0x72: {  	_ =	shalt  }
0x73: {  	_ =	shalt  }
0x74: {  	_ =	shalt  }
0x75: {  	_ =	shalt  }
0x76: {  	_ =	shalt  }
0x77: {  	_ =	shalt  }
0x78: {  	_ =	shalt  }
0x79: {  	_ =	shalt  }
0x7a: {  	_ =	shalt  }
0x7b: {  	_ =	shalt  }
0x7c: {  	_ =	shalt  }
0x7d: {  	_ =	shalt  }
0x7e: {  	_ =	shalt  }
0x7f: {  	_ =	shalt  }
0x80: {  	_ =	shalt  }
0x81: {  	_ =	shalt  }
0x82: {  	_ =	shalt  }
0x83: {  	_ =	shalt  }
0x84: {  	_ =	shalt  }
0x85: {  	_ =	shalt  }
0x86: {  	_ =	shalt  }
0x87: {  	_ =	shalt  }
.Lfunc_end0:
.L_simem_size_0:
called_computation_lowered:
.L_overlay_start_0:
0x88: {  	s2 =	sld [smem:$0x3FD9]  }
0x89: {  	s3 =	sld [smem:$0x3FFE];
	_ =	sdelay $0x1  }
0x8a: {  	s1 =	srdreg.scid  }
0x8b: {  	s0 =	sand.u32 $0x1, s1  }
0x8c: {  	s17 =	sshll.u32 s0, $0xA;
	s2 =	sadd.s32 s3, s2  }
0x8d: {  	s2 =	sadd.s32 s2, s17  }
0x8e: {  	[smem:$0x3FC6] =	sst s2  }
0x8f: {  	_ = 	snop  }
0x90: {  	s2 =	sld [smem:$0x3FC9]  }
0x91: {  	s18 =	sld [smem:$0x3FC8];
	(tm) =	ssettm $0x1  }
0x92: {  	s4 =	sld [smem:$0x3FFB];
	_ =	sdelay $0x3  }
0x93: {  	_ =	strace s4  }
0x94: {  	s4 =	sld [smem:$0x3FFC];
	_ =	sdelay $0x3  }
0x95: {  	_ =	strace s4  }
0x96: {  	s4 =	sld [smem:$0x3FFD];
	_ =	sdelay $0x3  }
0x97: {  	_ =	strace s4  }
0x98: {  	_ =	strace $0x8FFFFFFF  }
0x99: {  	s19 =	sld [smem:$0x3FDB];
	_ =	sdelay $0x1  }
0x9a: {  	s5 =	simm.s32 $_scs_section_size  }
0x9b: {  	s6 =	simm.s32 $_size__tile_overlayer_lowered;
	s7 =	simm.s32 $_tile_overlayer_lowered  }
0x9c: {  	s22 =	simm.s32 $0x1BFF;
	s21 =	sshll.u32 s7, $0x1;
	s4 =	sadd.s32 s5, s19  }
0x9d: {  	s8 =	simm.s32 $0x0;
	s20 =	sshll.u32 s6, $0x1;
	s6 =	sadd.s32 s21, s4  }
0x9e: {  	[timem:s8], [sflag:s22] =	dma.local [hbm:s6], s20  }
0x9f: {  	_ =	swait.ge [sflag:s22], s20  }
0xa0: {  	s5 =	ssub.s32 $0x0, s20;
	[sflag:s22] =	ssyncset.done $0x0  }
0xa1: {  	[sflag:s22] =	ssyncadd.s32 s5;
	_ =	sdelay $0x1  }
0xa2: {  	s23 =	simm.s32 $0x1B8B  }
0xa3: {  	_ =	swait.ge [sflag:s23], $0x1  }
0xa4: {  	[sflag:s23] =	ssyncset.done $0x0  }
0xa5: {  	s25 =	simm.s32 $0x1B8E;
	s24 =	sld [smem:$0x3FFE];
	[sflag:s23] =	ssyncadd.s32 $0xFFFFFFFF  }
0xa6: {  	s26 =	simm.s32 $execute0_lowered;
	[smem:$0x3FD2] =	sst s25  }
0xa7: {  	s6 =	sshll.u32 s26, $0x1;
	_ =	strace $0x80000046;
	[dreg:$0x1] =	wrdreg $0xFFFFFFFF  }
0xa8: {  	s28 =	simm.s32 $_size_execute0_lowered;
	s4 =	sadd.s32 s4, s6;
	[dreg:$0x0] =	wrdreg $0x0  }
0xa9: {  	s6 =	sshll.u32 s28, $0x1;
	[dreg:$0x2] =	wrdreg s4  }
0xaa: {  	[dreg:$0x3] =	wrdreg s6  }
0xab: {  	[dreg:$0x4] =	wrdreg $0xC0  }
0xac: {  	_ =	task [dreg:s8], $0x5FFFF  }
0xad: {  	[dreg:$0x1] =	wrdreg $0xFFFFFFFF  }
0xae: {  	[dreg:$0x0] =	wrdreg $0x60  }
0xaf: {  	[dreg:$0x2] =	wrdreg s2  }
0xb0: {  	[dreg:$0x3] =	wrdreg s18  }
0xb1: {  	[dreg:$0x4] =	wrdreg s24  }
0xb2: {  	[dreg:$0x5] =	wrdreg $0x9  }
0xb3: {  	_ =	task.clear_ibuf [dreg:s8], $0x6FFFF;
	_ =	strace $0x90000046  }
0xb4: {  	s29 =	simm.s32 $0x9;
	_ =	strace $0x80000048  }
0xb5: {  	_ =	swait.ge [sflag:s29], $0x1  }
0xb6: {  	[sflag:s29] =	ssyncadd.s32 $0xFFFFFFFF  }
0xb7: {  	_ =	strace $0x90000048  }
0xb8: {  	_ =	sfence  }
0xb9: {  	s30 =	sld [smem:$0x0];
	_ =	sdelay $0x2  }
0xba: {  	s31 =	sshll.u32 s1, $0xD;
	s1 =	sshrl.u32 s1, $0x2  }
0xbb: {  	s3 =	sand.u32 $0x4000, s31;
	s1 =	sadd.s32 s1, s30  }
0xbc: {  	s0 =	sor.u32 s3, s0;
	s1 =	sshll.u32 s1, $0x11  }
0xbd: {  	s0 =	sor.u32 s1, s0  }
0xbe: {  	s0 =	sadd.s32 $0x8F2B, s0  }
0xbf: {  	[sflag:s0] =	ssyncadd.remote.s32 $0x1  }
0xc0: {  	_ =	sfence.sel $0xFFFF  }
0xc1: {  	[dreg:$0x0] =	wrdreg $0xFFFFFFFF;
	(pc) =	sbr.abs _section_cstart, $3  }
0xc2: {  	[dreg:$0x1] =	wrdreg $0xFFFFFFFF  }
0xc3: {  	_ =	task.clear_ibuf [dreg:s8], $0x2FFFF;
	_ =	strace $0x9FFFFFFF  }
0xc4: {  	(tm) =	ssettm $0x7FFFFFFF  }
0xc5: {  	_ =	shalt  }
tec
execute0_lowered:
.L_overlay_start_1:
0x0: {  	(tag) =	ssettag $0x1  }
0x1: {  	s5 =	rddreg [dreg:$0x0]  }
0x2: {  	s6 =	rddreg [dreg:$0x1]  }
0x3: {  	s3 =	rddreg [dreg:$0x2]  }
0x4: {  	s0 =	rddreg [dreg:$0x3];
	s4 =	srdreg.scid  }
0x5: {  	s1 =	stileid.u32;
	s2 =	simm.s32 $0x0;
	s13 =	simm.s32 $0xC000  }
0x6: {  	s14 =	simm.s32 $0x1;
	s15 =	simm.s32 $0x2;
	s16 =	simm.s32 $0x10000  }
0x7: {  	s17 =	simm.s32 $0x3;
	s18 =	simm.s32 $0x10080;
	s19 =	simm.s32 $0x0  }
0x8: {  	s8 =	sand.u32 $0x1, s4;
	s29 =	sshll.u32 s1, $0x1;
	[smem:$0x7FF] =	sst s2  }
0x9: {  	s11 =	sshll.u32 s1, $0x10;
	s4 =	sor.u32 s8, s29;
	_ =	strace $0x80000047  }
0xa: {  	s9 =	ssub.s32 $0x2, s8;
	s12 =	sshll.u32 s8, $0xF;
	s7 =	sshll.u32 s4, $0x4  }
0xb: {  	s30 =	sshrl.u32 s9, $0x1;
	s4 =	sshll.u32 s4, $0xC;
	s10 =	sadd.s32 s7, s3  }
0xc: {  	s9 =	ssub.s32 s9, s30;
	s3 =	sadd.s32 s5, s4;
	s31 =	sor.u32 $0x800, s4  }
0xd: {  	s4 =	sadd.s32 s6, s4;
	s5 =	sadd.s32 s5, s31;
	s6 =	sadd.s32 s6, s31  }
0xe: {  	s7 =	sadd.s32 $0x1200, s10;
	s8 =	sadd.s32 $0x1400, s10;
	s9 =	smax.u32 s9, $0x1  }
0xf: {  	v0 =	vlaneseq.u32;
	s10 =	sor.u32 s12, s11;
	s11 =	simm.s32 $0x8000;
	s12 =	simm.s32 $0x4000  }
.LBB2_1:
0x10: {  	[tilespmem:s2], [sflag:$0x1] =	stream.linear.gather [hbm4b:s3+s2], $0x4000, $0x38;
	[tilespmem:$0x10100] =	vst v63  }
0x11: {  	_ = 	snop  }
0x12: {  	[tilespmem:s11], [sflag:$0x1] =	stream.linear.gather [hbm4b:s4+s2], $0x4000, $0x38;
	[tilespmem:$0x10100] =	vst v63  }
0x13: {  	_ = 	snop  }
0x14: {  	[tilespmem:s12], [sflag:$0x2] =	stream.linear.gather [hbm4b:s5+s2], $0x4000, $0x38;
	[tilespmem:$0x10100] =	vst v63  }
0x15: {  	_ = 	snop  }
0x16: {  	[tilespmem:s13], [sflag:$0x2] =	stream.linear.gather [hbm4b:s6+s2], $0x4000, $0x38;
	[tilespmem:$0x10100] =	vst v63  }
0x17: {  	_ =	swait.ge [sflag:s14], $0x4000  }
0x18: {  	[sflag:s14] =	ssyncset.done $0x0  }
0x19: {  	[sflag:s14] =	ssyncadd.s32 $0xFFFFC000  }
0x1a: {  	_ =	swait.ge [sflag:s14], $0x4000  }
0x1b: {  	[sflag:s14] =	ssyncset.done $0x0  }
0x1c: {  	s20 =	simm.s32 $0x40;
	[sflag:s14] =	ssyncadd.s32 $0xFFFFC000  }
0x1d: {  	s21 =	simm.s32 $0x8040;
	v1 =	vld [tilespmem:s20+$0x30]  }
0x1e: {  	v2 =	vld [tilespmem:s21+$0x30]  }
0x1f: {  	v17 =	vld [tilespmem:s20+$0x20]  }
0x20: {  	v21 =	vld [tilespmem:s21+$0x20]  }
0x21: {  	v14 =	vld [tilespmem:s20+$0x10]  }
0x22: {  	v15 =	vld [tilespmem:s21+$0x10]  }
0x23: {  	v9 =	vld [tilespmem:s20+$0x0]  }
0x24: {  	v10 =	vld [tilespmem:s21+$0x0]  }
0x25: {  	v8 =	vld [tilespmem:s20+$0xFFFFFFF0]  }
0x26: {  	v13 =	vld [tilespmem:s21+$0xFFFFFFF0]  }
0x27: {  	v3 =	vld [tilespmem:s20+$0xFFFFFFC0]  }
0x28: {  	v4 =	vld [tilespmem:s21+$0xFFFFFFC0]  }
0x29: {  	v5 =	vld [tilespmem:s20+$0xFFFFFFD0]  }
0x2a: {  	s24 =	sadd.s32 $0x0, s10;
	v11 =	vld [tilespmem:s21+$0xFFFFFFD0]  }
0x2b: {  	v6 =	vimm.f32 $-1.000000000e+00;
	v7 =	vimm.s32 $0x40000000;
	v16 =	vimm.f32 $0.0e+00;
	s28 =	sadd.s32 $0x50, s24;
	s22 =	sadd.s32 $0x60, s24;
	v18 =	vld [tilespmem:s20+$0xFFFFFFE0]  }
0x2c: {  	v19 =	vor.u32 s24, v0;
	s29 =	sadd.s32 $0x30, s24;
	s23 =	sadd.s32 $0x40, s24;
	v22 =	vor.u32 s28, v0;
	v12 =	vor.u32 s22, v0;
	v20 =	vld [tilespmem:s21+$0xFFFFFFE0]  }
0x2d: {  	s30 =	sadd.s32 $0x20, s24;
	v24 =	vor.u32 s29, v0;
	v25 =	vor.u32 s23, v0;
	v23 =	vsub.f32 v3, v4  }
0x2e: {  	v26 =	vor.u32 s30, v0;
	v27 =	vsub.f32 v17, v21;
	v28 =	vsub.f32 v1, v2  }
0x2f: {  	s31 =	sadd.s32 $0x10, s24;
	v29 =	vsub.f32 v5, v11;
	v30 =	vsub.f32 v14, v15;
	v23 =	vmul.f32 v23, v23  }
0x30: {  	v31 =	vor.u32 s31, v0;
	v32 =	vsub.f32 v8, v13;
	v33 =	vsub.f32 v9, v10  }
0x31: {  	v34 =	vsub.f32 v18, v20;
	v29 =	vmul.f32 v29, v29;
	vm0 =	vgt.f32 v23, v6  }
0x32: {  	s21 =	simm.s32 $0xC0;
	v23 =	vsel vm0, v23, v6;
	v3 =	vsel vm0, v3, v16;
	v4 =	vsel vm0, v4, v16  }
0x33: {  	s20 =	simm.s32 $0x80C0;
	v6 =	vld [tilespmem:s21+$0x30];
	v16 =	vsel vm0, v19, v7;
	v19 =	vmul.f32 v34, v34;
	vm0 =	vgt.f32 v29, v23  }
0x34: {  	v60 =	vmul.f32 v32, v32;
	v7 =	vld [tilespmem:s20+$0x30];
	v23 =	vsel vm0, v29, v23;
	v5 =	vsel vm0, v5, v3  }
0x35: {  	v4 =	vsel vm0, v11, v4;
	v3 =	vld [tilespmem:s21+$0x20];
	v16 =	vsel vm0, v31, v16;
	vm0 =	vgt.f32 v19, v23  }
0x36: {  	v11 =	vld [tilespmem:s20+$0x20];
	v19 =	vsel vm0, v19, v23;
	v18 =	vsel vm0, v18, v5;
	v20 =	vsel vm0, v20, v4  }
0x37: {  	v4 =	vld [tilespmem:s21+$0x10];
	v16 =	vsel vm0, v26, v16;
	v23 =	vmul.f32 v33, v33;
	vm0 =	vgt.f32 v60, v19  }
0x38: {  	v61 =	vmul.f32 v30, v30;
	v5 =	vld [tilespmem:s20+$0x10];
	v19 =	vsel vm0, v60, v19;
	v18 =	vsel vm0, v8, v18  }
0x39: {  	v20 =	vsel vm0, v13, v20;
	v13 =	vld [tilespmem:s21+$0x0];
	v16 =	vsel vm0, v24, v16;
	vm0 =	vgt.f32 v23, v19  }
0x3a: {  	v8 =	vld [tilespmem:s20+$0x0];
	v19 =	vsel vm0, v23, v19;
	v18 =	vsel vm0, v9, v18;
	v20 =	vsel vm0, v10, v20  }
0x3b: {  	v9 =	vld [tilespmem:s21+$0xFFFFFFF0];
	v16 =	vsel vm0, v25, v16;
	v23 =	vmul.f32 v27, v27;
	vm0 =	vgt.f32 v61, v19  }
0x3c: {  	v10 =	vld [tilespmem:s20+$0xFFFFFFF0];
	v19 =	vsel vm0, v61, v19;
	v62 =	vsel vm0, v14, v18;
	v63 =	vsel vm0, v15, v20  }
0x3d: {  	v14 =	vld [tilespmem:s21+$0xFFFFFFC0];
	v18 =	vsel vm0, v22, v16;
	v16 =	vmul.f32 v28, v28;
	vm0 =	vgt.f32 v23, v19  }
0x3e: {  	s24 =	sadd.s32 $0x70, s24;
	s22 =	simm.s32 $0x80;
	s23 =	simm.s32 $0x100;
	v15 =	vld [tilespmem:s20+$0xFFFFFFC0];
	v19 =	vsel vm0, v23, v19;
	v20 =	vsel vm0, v17, v62;
	v17 =	vsel vm0, v21, v63  }
.LBB2_2:
0x3f: {  	p0 =	sne.s32 s23, $0x3F80;
	v21 =	vld [tilespmem:s21+$0xFFFFFFD0];
	v12 =	vsel vm0, v12, v18;
	vm0 =	vgt.f32 v16, v19;
	v18 =	vor.u32 s24, v0;
	v22 =	vmovc v11;
	v23 =	vmovc v13  }
0x40: {  	s24 =	sadd.s32 s22, s10;
	s22 =	smov.u32 s23;
	v11 =	vld [tilespmem:s20+$0xFFFFFFD0];
	v13 =	vsel vm0, v16, v19;
	v16 =	vsel vm0, v1, v20;
	v17 =	vsel vm0, v2, v17;
	v1 =	vmovc v6  }
0x41: {  	s25 =	sadd.s32 $0x50, s24;
	s26 =	sadd.s32 $0x60, s24;
	v18 =	vsel vm0, v18, v12;
	v2 =	vmov v7;
	v19 =	vld [tilespmem:s21+$0xFFFFFFE0]  }
0x42: {  	v7 =	vor.u32 s24, v0;
	s28 =	sadd.s32 $0x30, s24;
	s29 =	sadd.s32 $0x40, s24;
	v24 =	vor.u32 s25, v0;
	v12 =	vor.u32 s26, v0;
	v20 =	vld [tilespmem:s20+$0xFFFFFFE0]  }
0x43: {  	s25 =	sadd.s32 $0x20, s24;
	v25 =	vor.u32 s28, v0;
	v26 =	vor.u32 s29, v0;
	v6 =	vsub.f32 v14, v15  }
0x44: {  	v28 =	vsub.f32 v3, v22;
	v29 =	vsub.f32 v1, v2;
	v27 =	vor.u32 s25, v0  }
0x45: {  	v31 =	vsub.f32 v4, v5;
	s25 =	sadd.s32 $0x10, s24;
	v6 =	vmul.f32 v6, v6;
	v30 =	vsub.f32 v21, v11  }
0x46: {  	v34 =	vsub.f32 v23, v8;
	v33 =	vsub.f32 v9, v10;
	v32 =	vor.u32 s25, v0  }
0x47: {  	vm0 =	vgt.f32 v6, v13;
	v30 =	vmul.f32 v30, v30;
	v35 =	vsub.f32 v19, v20  }
0x48: {  	s21 =	sadd.s32 $0x80, s21;
	v13 =	vsel vm0, v6, v13;
	v14 =	vsel vm0, v14, v16;
	v15 =	vsel vm0, v15, v17  }
0x49: {  	s20 =	sadd.s32 $0x80, s20;
	v16 =	vsel vm0, v7, v18;
	v6 =	vld [tilespmem:s21+$0x30];
	vm0 =	vgt.f32 v30, v13;
	v17 =	vmul.f32 v35, v35  }
0x4a: {  	v7 =	vld [tilespmem:s20+$0x30];
	v13 =	vsel vm0, v30, v13;
	v14 =	vsel vm0, v21, v14;
	v15 =	vsel vm0, v11, v15  }
0x4b: {  	v18 =	vmul.f32 v33, v33;
	v16 =	vsel vm0, v32, v16;
	v21 =	vld [tilespmem:s21+$0x20];
	vm0 =	vgt.f32 v17, v13  }
0x4c: {  	v11 =	vld [tilespmem:s20+$0x20];
	v13 =	vsel vm0, v17, v13;
	v14 =	vsel vm0, v19, v14;
	v15 =	vsel vm0, v20, v15  }
0x4d: {  	v16 =	vsel vm0, v27, v16;
	v19 =	vmul.f32 v34, v34;
	v17 =	vld [tilespmem:s21+$0x10];
	vm0 =	vgt.f32 v18, v13  }
0x4e: {  	v20 =	vld [tilespmem:s20+$0x10];
	v18 =	vsel vm0, v18, v13;
	v9 =	vsel vm0, v9, v14;
	v10 =	vsel vm0, v10, v15  }
0x4f: {  	v14 =	vsel vm0, v25, v16;
	v15 =	vmul.f32 v31, v31;
	v13 =	vld [tilespmem:s21+$0x0];
	vm0 =	vgt.f32 v19, v18  }
.Ltmp0:
0x50: {  	v16 =	vsel vm0, v19, v18;
	v18 =	vsel vm0, v23, v9;
	v19 =	vsel vm0, v8, v10;
	v8 =	vld [tilespmem:s20+$0x0];
	(pc) =	sbr.rel @p0 .LBB2_2-.Ltmp0, $4  }
0x51: {  	v25 =	vmul.f32 v28, v28;
	v23 =	vsel vm0, v26, v14;
	v9 =	vld [tilespmem:s21+$0xFFFFFFF0];
	vm0 =	vgt.f32 v15, v16  }
0x52: {  	v10 =	vld [tilespmem:s20+$0xFFFFFFF0];
	v26 =	vsel vm0, v15, v16;
	v27 =	vsel vm0, v4, v18;
	v28 =	vsel vm0, v5, v19;
	v4 =	vmovc v17  }
0x53: {  	v18 =	vsel vm0, v24, v23;
	v16 =	vmul.f32 v29, v29;
	v14 =	vld [tilespmem:s21+$0xFFFFFFC0];
	vm0 =	vgt.f32 v25, v26;
	v5 =	vmovc v20  }
0x54: {  	s23 =	sadd.s32 $0x80, s23;
	s24 =	sadd.s32 $0x70, s24;
	v15 =	vld [tilespmem:s20+$0xFFFFFFC0];
	v19 =	vsel vm0, v25, v26;
	v20 =	vsel vm0, v3, v27;
	v17 =	vsel vm0, v22, v28;
	v3 =	vmovc v21  }
0x55: {  	v21 =	vld [tilespmem:s21+$0xFFFFFFD0]  }
0x56: {  	v12 =	vsel vm0, v12, v18;
	vm0 =	vgt.f32 v16, v19;
	v18 =	vld [tilespmem:s20+$0xFFFFFFD0]  }
0x57: {  	v22 =	vor.u32 s24, v0;
	v28 =	vsub.f32 v3, v11;
	v16 =	vsel vm0, v16, v19;
	v19 =	vld [tilespmem:s21+$0xFFFFFFE0]  }
0x58: {  	s22 =	sadd.s32 s22, s10;
	v30 =	vsub.f32 v6, v7;
	v31 =	vsub.f32 v4, v5;
	v1 =	vsel vm0, v1, v20;
	v20 =	vld [tilespmem:s20+$0xFFFFFFE0]  }
0x59: {  	v35 =	vsub.f32 v13, v8;
	v2 =	vsel vm0, v2, v17;
	s24 =	sadd.s32 $0x50, s22;
	_ =	swait.ge [sflag:s15], $0x4000;
	v24 =	vsub.f32 v14, v15  }
0x5a: {  	s23 =	sadd.s32 $0x60, s22;
	v12 =	vsel vm0, v22, v12;
	v17 =	vor.u32 s22, v0;
	s25 =	sadd.s32 $0x30, s22;
	v22 =	vor.u32 s24, v0;
	[sflag:s15] =	ssyncset.done $0x0  }
0x5b: {  	s26 =	sadd.s32 $0x40, s22;
	s28 =	sadd.s32 $0x20, s22;
	v23 =	vor.u32 s23, v0;
	[sflag:s15] =	ssyncadd.s32 $0xFFFFC000;
	v29 =	vsub.f32 v21, v18;
	v24 =	vmul.f32 v24, v24  }
0x5c: {  	v25 =	vor.u32 s25, v0;
	v26 =	vor.u32 s26, v0;
	v27 =	vor.u32 s28, v0;
	_ =	swait.ge [sflag:s15], $0x4000  }
0x5d: {  	s29 =	sadd.s32 $0x10, s22;
	[sflag:s15] =	ssyncset.done $0x0;
	v33 =	vsub.f32 v19, v20;
	v29 =	vmul.f32 v29, v29;
	vm0 =	vgt.f32 v24, v16  }
0x5e: {  	s31 =	simm.s32 $0xC040;
	v32 =	vor.u32 s29, v0;
	v34 =	vsub.f32 v9, v10;
	[sflag:s15] =	ssyncadd.s32 $0xFFFFC000;
	v16 =	vsel vm0, v24, v16  }
0x5f: {  	s30 =	simm.s32 $0x4040;
	v49 =	vld [tilespmem:s31+$0x20];
	v48 =	vmul.f32 v33, v33;
	v14 =	vsel vm0, v14, v1;
	vm1 =	vgt.f32 v29, v16  }
0x60: {  	v1 =	vld [tilespmem:s30+$0x30];
	v15 =	vsel vm0, v15, v2;
	v12 =	vsel vm0, v17, v12;
	v16 =	vsel vm1, v29, v16  }
0x61: {  	v2 =	vld [tilespmem:s31+$0x30];
	v17 =	vsel vm1, v21, v14;
	v21 =	vmul.f32 v34, v34;
	vm0 =	vgt.f32 v48, v16  }
0x62: {  	v14 =	vld [tilespmem:s30+$0x20];
	v15 =	vsel vm1, v18, v15;
	v12 =	vsel vm1, v32, v12;
	v16 =	vsel vm0, v48, v16  }
0x63: {  	v18 =	vmul.f32 v35, v35;
	v17 =	vsel vm0, v19, v17;
	v19 =	vld [tilespmem:s30+$0x10];
	vm1 =	vgt.f32 v21, v16  }
0x64: {  	v15 =	vsel vm0, v20, v15;
	v12 =	vsel vm0, v27, v12;
	v20 =	vld [tilespmem:s31+$0x10];
	v16 =	vsel vm1, v21, v16  }
0x65: {  	v9 =	vsel vm1, v9, v17;
	v17 =	vmul.f32 v31, v31;
	v21 =	vld [tilespmem:s30+$0x0];
	vm0 =	vgt.f32 v18, v16  }
0x66: {  	v10 =	vsel vm1, v10, v15;
	v12 =	vsel vm1, v25, v12;
	v15 =	vsel vm0, v18, v16;
	v16 =	vld [tilespmem:s31+$0x0]  }
0x67: {  	v9 =	vsel vm0, v13, v9;
	v13 =	vmul.f32 v28, v28;
	v18 =	vld [tilespmem:s30+$0xFFFFFFF0];
	vm1 =	vgt.f32 v17, v15  }
0x68: {  	v8 =	vsel vm0, v8, v10;
	v10 =	vsel vm0, v26, v12;
	v12 =	vsel vm1, v17, v15;
	v15 =	vld [tilespmem:s31+$0xFFFFFFF0]  }
0x69: {  	v4 =	vsel vm1, v4, v9;
	v9 =	vmul.f32 v30, v30;
	v17 =	vld [tilespmem:s30+$0xFFFFFFC0];
	vm0 =	vgt.f32 v13, v12  }
0x6a: {  	s24 =	sadd.s32 $0x0, s10;
	v5 =	vsel vm1, v5, v8;
	v8 =	vsel vm1, v22, v10;
	v10 =	vsel vm0, v13, v12;
	v12 =	vld [tilespmem:s31+$0xFFFFFFC0]  }
0x6b: {  	s29 =	sadd.s32 $0x4020, s24;
	v3 =	vsel vm0, v3, v4;
	v4 =	vsel vm0, v11, v5;
	v5 =	vld [tilespmem:s30+$0xFFFFFFD0];
	vm1 =	vgt.f32 v9, v10  }
0x6c: {  	s25 =	sadd.s32 $0x4030, s24;
	v50 =	vor.u32 s29, v0;
	v54 =	vsub.f32 v1, v2;
	v9 =	vsel vm1, v9, v10;
	v10 =	vld [tilespmem:s31+$0xFFFFFFD0]  }
0x6d: {  	s22 =	sadd.s32 $0x70, s22;
	v51 =	vor.u32 s25, v0;
	v53 =	vsub.f32 v14, v49;
	v56 =	vsub.f32 v19, v20;
	v13 =	vld [tilespmem:s31+$0xFFFFFFE0]  }
0x6e: {  	v8 =	vsel vm0, v23, v8;
	v11 =	vor.u32 s22, v0;
	v4 =	vsel vm1, v7, v4;
	v7 =	vld [tilespmem:s30+$0xFFFFFFE0]  }
0x6f: {  	s23 =	sadd.s32 $0x4040, s24;
	s26 =	sadd.s32 $0x4050, s24;
	v3 =	vsel vm1, v6, v3;
	v6 =	vsel vm1, v11, v8;
	v8 =	vsub.f32 v17, v12  }
0x70: {  	v22 =	vor.u32 s23, v0;
	v62 =	vmul.f32 v56, v56;
	v23 =	vor.u32 s26, v0  }
0x71: {  	v59 =	vsub.f32 v21, v16;
	s30 =	sadd.s32 $0x4010, s24;
	s31 =	sadd.s32 $0x4000, s24;
	v8 =	vmul.f32 v8, v8;
	v55 =	vsub.f32 v5, v10  }
0x72: {  	v52 =	vor.u32 s30, v0;
	v57 =	vor.u32 s31, v0;
	v58 =	vsub.f32 v18, v15  }
0x73: {  	v60 =	vsub.f32 v7, v13;
	vm0 =	vgt.f32 v8, v9;
	v30 =	vmul.f32 v55, v55  }
0x74: {  	s20 =	simm.s32 $0x40C0;
	v9 =	vsel vm0, v8, v9;
	v3 =	vsel vm0, v17, v3;
	v4 =	vsel vm0, v12, v4  }
0x75: {  	s21 =	simm.s32 $0xC0C0;
	v8 =	vld [tilespmem:s20+$0x30];
	v12 =	vsel vm0, v57, v6;
	v17 =	vmul.f32 v60, v60;
	vm0 =	vgt.f32 v30, v9  }
0x76: {  	v61 =	vmul.f32 v58, v58;
	v6 =	vld [tilespmem:s21+$0x30];
	v9 =	vsel vm0, v30, v9;
	v5 =	vsel vm0, v5, v3  }
0x77: {  	v4 =	vsel vm0, v10, v4;
	v3 =	vld [tilespmem:s20+$0x20];
	v10 =	vsel vm0, v52, v12;
	vm0 =	vgt.f32 v17, v9  }
0x78: {  	v12 =	vld [tilespmem:s21+$0x20];
	v9 =	vsel vm0, v17, v9;
	v7 =	vsel vm0, v7, v5;
	v13 =	vsel vm0, v13, v4  }
0x79: {  	s28 =	sadd.s32 $0x4060, s24;
	v4 =	vld [tilespmem:s20+$0x10];
	v10 =	vsel vm0, v50, v10;
	v17 =	vmul.f32 v59, v59;
	vm0 =	vgt.f32 v61, v9  }
0x7a: {  	v11 =	vor.u32 s28, v0;
	v5 =	vld [tilespmem:s21+$0x10];
	v9 =	vsel vm0, v61, v9;
	v18 =	vsel vm0, v18, v7  }
0x7b: {  	v15 =	vsel vm0, v15, v13;
	v13 =	vld [tilespmem:s20+$0x0];
	v10 =	vsel vm0, v51, v10;
	vm0 =	vgt.f32 v17, v9  }
0x7c: {  	v7 =	vld [tilespmem:s21+$0x0];
	v17 =	vsel vm0, v17, v9;
	v18 =	vsel vm0, v21, v18;
	v15 =	vsel vm0, v16, v15  }
0x7d: {  	v9 =	vld [tilespmem:s20+$0xFFFFFFF0];
	v16 =	vsel vm0, v22, v10;
	v21 =	vmul.f32 v53, v53;
	vm0 =	vgt.f32 v62, v17  }
0x7e: {  	v10 =	vld [tilespmem:s21+$0xFFFFFFF0];
	v22 =	vsel vm0, v62, v17;
	v19 =	vsel vm0, v19, v18;
	v63 =	vsel vm0, v20, v15  }
0x7f: {  	v15 =	vld [tilespmem:s20+$0xFFFFFFC0];
	v18 =	vsel vm0, v23, v16;
	v17 =	vmul.f32 v54, v54;
	vm0 =	vgt.f32 v21, v22  }
0x80: {  	s23 =	simm.s32 $0x100;
	s22 =	simm.s32 $0x80;
	s24 =	sadd.s32 $0x4070, s24;
	v16 =	vld [tilespmem:s21+$0xFFFFFFC0];
	v20 =	vsel vm0, v21, v22;
	v14 =	vsel vm0, v14, v19;
	v19 =	vsel vm0, v49, v63  }
.LBB2_4:
0x81: {  	p0 =	sne.s32 s23, $0x3F80;
	v21 =	vld [tilespmem:s20+$0xFFFFFFD0];
	v11 =	vsel vm0, v11, v18;
	vm0 =	vgt.f32 v17, v20;
	v18 =	vor.u32 s24, v0;
	v22 =	vmovc v12;
	v23 =	vmovc v13  }
0x82: {  	s24 =	sadd.s32 s22, s10;
	s22 =	smov.u32 s23;
	v12 =	vld [tilespmem:s21+$0xFFFFFFD0];
	v13 =	vsel vm0, v17, v20;
	v14 =	vsel vm0, v1, v14;
	v17 =	vsel vm0, v2, v19;
	v1 =	vmovc v8  }
0x83: {  	s25 =	sadd.s32 $0x4040, s24;
	s26 =	sadd.s32 $0x4050, s24;
	s28 =	sadd.s32 $0x4060, s24;
	v18 =	vsel vm0, v18, v11;
	v2 =	vmov v6;
	v19 =	vld [tilespmem:s20+$0xFFFFFFE0]  }
0x84: {  	s29 =	sadd.s32 $0x4020, s24;
	s30 =	sadd.s32 $0x4030, s24;
	v24 =	vor.u32 s25, v0;
	v25 =	vor.u32 s26, v0;
	v11 =	vor.u32 s28, v0;
	v20 =	vld [tilespmem:s21+$0xFFFFFFE0]  }
0x85: {  	s25 =	sadd.s32 $0x4010, s24;
	v26 =	vor.u32 s29, v0;
	v27 =	vor.u32 s30, v0;
	v6 =	vsub.f32 v15, v16  }
0x86: {  	v29 =	vsub.f32 v3, v22;
	v30 =	vsub.f32 v1, v2;
	v28 =	vor.u32 s25, v0  }
0x87: {  	v31 =	vsub.f32 v4, v5;
	s25 =	sadd.s32 $0x4000, s24;
	v6 =	vmul.f32 v6, v6;
	v8 =	vsub.f32 v21, v12  }
0x88: {  	v34 =	vsub.f32 v23, v7;
	v33 =	vsub.f32 v9, v10;
	v32 =	vor.u32 s25, v0  }
0x89: {  	vm0 =	vgt.f32 v6, v13;
	v35 =	vmul.f32 v8, v8;
	v36 =	vsub.f32 v19, v20  }
0x8a: {  	s20 =	sadd.s32 $0x80, s20;
	v13 =	vsel vm0, v6, v13;
	v14 =	vsel vm0, v15, v14;
	v15 =	vsel vm0, v16, v17  }
0x8b: {  	s21 =	sadd.s32 $0x80, s21;
	v16 =	vsel vm0, v32, v18;
	v8 =	vld [tilespmem:s20+$0x30];
	vm0 =	vgt.f32 v35, v13;
	v17 =	vmul.f32 v36, v36  }
0x8c: {  	v6 =	vld [tilespmem:s21+$0x30];
	v13 =	vsel vm0, v35, v13;
	v14 =	vsel vm0, v21, v14;
	v15 =	vsel vm0, v12, v15  }
0x8d: {  	v18 =	vmul.f32 v33, v33;
	v16 =	vsel vm0, v28, v16;
	v21 =	vld [tilespmem:s20+$0x20];
	vm0 =	vgt.f32 v17, v13  }
0x8e: {  	v12 =	vld [tilespmem:s21+$0x20];
	v13 =	vsel vm0, v17, v13;
	v14 =	vsel vm0, v19, v14;
	v15 =	vsel vm0, v20, v15  }
0x8f: {  	v16 =	vsel vm0, v26, v16;
	v19 =	vmul.f32 v34, v34;
	v17 =	vld [tilespmem:s20+$0x10];
	vm0 =	vgt.f32 v18, v13  }
0x90: {  	v20 =	vld [tilespmem:s21+$0x10];
	v18 =	vsel vm0, v18, v13;
	v9 =	vsel vm0, v9, v14;
	v10 =	vsel vm0, v10, v15  }
0x91: {  	v14 =	vsel vm0, v27, v16;
	v15 =	vmul.f32 v31, v31;
	v13 =	vld [tilespmem:s20+$0x0];
	vm0 =	vgt.f32 v19, v18  }
.Ltmp1:
0x92: {  	v16 =	vsel vm0, v19, v18;
	v18 =	vsel vm0, v23, v9;
	v19 =	vsel vm0, v7, v10;
	v7 =	vld [tilespmem:s21+$0x0];
	(pc) =	sbr.rel @p0 .LBB2_4-.Ltmp1, $4  }
0x93: {  	v14 =	vsel vm0, v24, v14;
	v23 =	vmul.f32 v29, v29;
	v9 =	vld [tilespmem:s20+$0xFFFFFFF0];
	vm0 =	vgt.f32 v15, v16  }
0x94: {  	v10 =	vld [tilespmem:s21+$0xFFFFFFF0];
	v24 =	vsel vm0, v15, v16;
	v26 =	vsel vm0, v4, v18;
	v19 =	vsel vm0, v5, v19;
	v4 =	vmovc v17  }
0x95: {  	v18 =	vsel vm0, v25, v14;
	v17 =	vmul.f32 v30, v30;
	v15 =	vld [tilespmem:s20+$0xFFFFFFC0];
	vm0 =	vgt.f32 v23, v24;
	v5 =	vmovc v20  }
0x96: {  	s23 =	sadd.s32 $0x80, s23;
	s24 =	sadd.s32 $0x4070, s24;
	v16 =	vld [tilespmem:s21+$0xFFFFFFC0];
	v20 =	vsel vm0, v23, v24;
	v14 =	vsel vm0, v3, v26;
	v19 =	vsel vm0, v22, v19;
	v3 =	vmovc v21  }
0x97: {  	v21 =	vld [tilespmem:s20+$0xFFFFFFD0]  }
0x98: {  	v22 =	vld [tilespmem:s21+$0xFFFFFFD0]  }
0x99: {  	vm1 =	vgt.f32 v17, v20;
	v23 =	vld [tilespmem:s20+$0xFFFFFFE0]  }
0x9a: {  	v11 =	vsel vm0, v11, v18;
	v48 =	vld [tilespmem:s21+$0xFFFFFFE0];
	v28 =	vsub.f32 v3, v12;
	v30 =	vsub.f32 v8, v6  }
0x9b: {  	v47 =	vor.u32 s24, v0;
	v31 =	vsub.f32 v4, v5;
	v49 =	vsub.f32 v15, v16  }
0x9c: {  	s25 =	sadd.s32 s22, s10;
	v33 =	vsub.f32 v13, v7;
	v17 =	vsel vm1, v17, v20;
	v1 =	vsel vm1, v1, v14  }
0x9d: {  	v2 =	vsel vm1, v2, v19;
	s26 =	sadd.s32 $0x4040, s25;
	s22 =	sadd.s32 $0x4050, s25;
	v25 =	vsub.f32 v21, v22;
	v14 =	vmul.f32 v49, v49  }
0x9e: {  	v11 =	vsel vm1, v47, v11;
	v50 =	vor.u32 s26, v0;
	v51 =	vor.u32 s22, v0  }
0x9f: {  	s23 =	sadd.s32 $0x4020, s25;
	s28 =	sadd.s32 $0x4030, s25;
	v29 =	vsub.f32 v23, v48;
	v25 =	vmul.f32 v25, v25;
	vm9 =	vgt.f32 v14, v17  }
0xa0: {  	v24 =	vor.u32 s23, v0;
	v26 =	vor.u32 s28, v0;
	v14 =	vsel vm9, v14, v17  }
0xa1: {  	s29 =	sadd.s32 $0x4010, s25;
	s30 =	sadd.s32 $0x4000, s25;
	v52 =	vsub.f32 v9, v10;
	v29 =	vmul.f32 v29, v29;
	vm10 =	vgt.f32 v25, v14  }
0xa2: {  	v27 =	vor.u32 s29, v0;
	v32 =	vor.u32 s30, v0;
	v14 =	vsel vm10, v25, v14  }
0xa3: {  	v54 =	vmul.f32 v33, v33;
	v53 =	vmul.f32 v52, v52;
	vm2 =	vgt.f32 v29, v14  }
0xa4: {  	s31 =	sadd.s32 $0x4060, s25;
	v55 =	vmul.f32 v31, v31;
	v56 =	vmul.f32 v28, v28;
	v14 =	vsel vm2, v29, v14  }
0xa5: {  	v59 =	vmul.f32 v30, v30;
	v62 =	vor.u32 s31, v0;
	vm11 =	vgt.f32 v53, v14  }
0xa6: {  	v1 =	vsel vm9, v15, v1;
	v2 =	vsel vm9, v16, v2;
	v14 =	vsel vm11, v53, v14  }
0xa7: {  	v11 =	vsel vm9, v32, v11;
	v1 =	vsel vm10, v21, v1;
	vm12 =	vgt.f32 v54, v14  }
0xa8: {  	v2 =	vsel vm10, v22, v2;
	v11 =	vsel vm10, v27, v11;
	v14 =	vsel vm12, v54, v14  }
0xa9: {  	v1 =	vsel vm2, v23, v1;
	v2 =	vsel vm2, v48, v2;
	vm13 =	vgt.f32 v55, v14  }
0xaa: {  	v11 =	vsel vm2, v24, v11;
	v1 =	vsel vm11, v9, v1;
	v58 =	vsel vm13, v55, v14  }
0xab: {  	v2 =	vsel vm11, v10, v2;
	v57 =	vsel vm11, v26, v11;
	vm14 =	vgt.f32 v56, v58  }
0xac: {  	v1 =	vsel vm12, v13, v1;
	v2 =	vsel vm12, v7, v2;
	v9 =	vsel vm14, v56, v58  }
0xad: {  	v60 =	vsel vm12, v50, v57;
	v1 =	vsel vm13, v4, v1;
	vm15 =	vgt.f32 v59, v9  }
0xae: {  	v2 =	vsel vm13, v5, v2;
	v1 =	vsel vm14, v3, v1;
	v3 =	vsel vm15, v59, v9  }
0xaf: {  	s20 =	sadd.s32 $0x4070, s25;
	v61 =	vsel vm13, v51, v60;
	v2 =	vsel vm14, v12, v2;
	v1 =	vsel vm15, v8, v1;
	[tilespmem:$0x10000] =	vst v3  }
0xb0: {  	v63 =	vor.u32 s20, v0;
	v2 =	vsel vm15, v6, v2;
	v3 =	vsel vm14, v62, v61;
	[tilespmem:$0x10010] =	vst v1  }
0xb1: {  	[tilespmem:$0x10020] =	vst v2;
	v1 =	vsel vm15, v63, v3  }
0xb2: {  	[tilespmem:$0x10080] =	vst v1  }
0xb3: {  	[hbm4b:s7+s2] =	stream.linear.scatter [tilespmem:s16], [sflag:$0x3], $0x80, $0x38;
	[tilespmem:$0x10100] =	vst v63  }
0xb4: {  	s19 =	sadd.s32 $0x1, s19;
	_ =	swait.ge [sflag:s17], $0x80  }
0xb5: {  	p0 =	sne.s32 s19, s9;
	[sflag:s17] =	ssyncset.done $0x0  }
.Ltmp2:
0xb6: {  	[sflag:s17] =	ssyncadd.s32 $0xFFFFFF80;
	(pc) =	sbr.rel @p0 .LBB2_1-.Ltmp2, $4  }
0xb7: {  	[hbm4b:s8+s2] =	stream.linear.scatter [tilespmem:s18], [sflag:$0x3], $0x80, $0x38;
	[tilespmem:$0x10100] =	vst v63  }
0xb8: {  	_ =	swait.ge [sflag:s17], $0x80  }
0xb9: {  	[sflag:s17] =	ssyncset.done $0x0  }
0xba: {  	[sflag:s17] =	ssyncadd.s32 $0xFFFFFF80  }
0xbb: {  	_ =	sfence.sel $0x180000  }
0xbc: {  	[bflag:$0x0] =	sbarrier.arrive $0xFFFF  }
0xbd: {  	p0 =	sne.s32 s1, $0x0;
	_ =	strace $0x90000047  }
0xbe: {  	s0 =	sadd.s32 @!p0 $0x100000, s0;
	[bflag:$0x2] =	sbarrier.arrive $0xFFFF  }
0xbf: {  	[sflag:s0] =	ssyncadd.tile.s32 @!p0 $0x1;
	_ =	shalt  }
.Lfunc_end2:
_tile_overlayer_lowered:
.L_overlay_start_2:
0xc0: {  	(tag) =	ssettag $0x2  }
0xc1: {  	s0 =	rddreg [dreg:$0x0];
	s2 =	stileid.u32  }
0xc2: {  	s1 =	rddreg [dreg:$0x1];
	p0 =	sne.s32 s2, $0x0  }
0xc3: {  	s3 =	rddreg [dreg:$0x2];
	[bflag:$0x3] =	sbarrier.arrive $0xFFFF;
	s2 =	simm.s32 @!p0 $0x1C03  }
0xc4: {  	[timem:s3], [sflag:s2] =	dma.local @!p0 [hbm:s0], s1  }
0xc5: {  	s0 =	simm.s32 @!p0 $0x3  }
0xc6: {  	_ =	swait.ge @!p0 [sflag:s0], s1  }
0xc7: {  	s1 =	ssub.s32 @!p0 $0x0, s1;
	[sflag:s0] =	ssyncset.done @!p0 $0x0  }
0xc8: {  	[sflag:s0] =	ssyncadd.s32 @!p0 s1  }
0xc9: {  	[bflag:$0x3] =	sbarrier.arrive $0xFFFF  }
0xca: {  	_ =	shalt  }

</sc_bundles>
